<compile_context>
chip_gen: v7x
topology: tpu7x:2x2x1
jax: 0.10.2.dev20260603
libtpu: 0.0.44.dev20260713+nightly
codegen_flags: <defaults>
</compile_context>

<pallas_src>
import functools

import jax
import jax.numpy as jnp
from jax import lax
from jax.experimental import pallas as pl
from jax.experimental.pallas import tpu as pltpu
from jax.experimental.pallas import tpu_sc as plsc

_NUM_CORES = 2
_NUM_SUBCORES = 16
_NUM_WORKERS = _NUM_CORES * _NUM_SUBCORES
_GROUP = 4


@functools.partial(jax.jit, static_argnames=("batch", "seq", "dim"))
def _embed(tokens, table, batch, seq, dim):
    rows_per_worker = batch // _NUM_WORKERS
    steps = rows_per_worker // _GROUP
    chunk = _GROUP * seq
    assert steps % 2 == 0 and steps >= 4
    mesh = plsc.VectorSubcoreMesh(core_axis_name="c", subcore_axis_name="s")

    @functools.partial(
        pl.kernel,
        out_type=jax.ShapeDtypeStruct((batch * seq, 2 * dim), jnp.float32),
        mesh=mesh,
        scratch_types=[
            pltpu.VMEM((chunk,), jnp.int32),
            pltpu.VMEM((chunk,), jnp.int32),
            pltpu.VMEM((chunk, dim), jnp.float32),
            pltpu.VMEM((chunk, dim), jnp.float32),
            pltpu.SemaphoreType.DMA,
            pltpu.SemaphoreType.DMA,
            pltpu.SemaphoreType.DMA,
            pltpu.SemaphoreType.DMA,
            pltpu.SemaphoreType.DMA,
            pltpu.SemaphoreType.DMA,
        ],
        compiler_params=pltpu.CompilerParams(use_tc_tiling_on_sc=False),
    )
    def body(tok_hbm, table_hbm, out_hbm, idx0, idx1, rows0, rows1,
             i0, i1, g0, g1, s0, s1):
        wid = lax.axis_index("s") * _NUM_CORES + lax.axis_index("c")
        base_row = wid * rows_per_worker
        base_flat = base_row * seq
        idx_b = (idx0, idx1)
        rows_b = (rows0, rows1)
        i_sem = (i0, i1)
        g_sem = (g0, g1)
        s_sem = (s0, s1)

        def fire_idx(b, grp):
            for j in range(_GROUP):
                pltpu.async_copy(
                    tok_hbm.at[base_row + grp * _GROUP + j],
                    idx_b[b].at[pl.ds(j * seq, seq)], i_sem[b])

        def wait_idx(b):
            for j in range(_GROUP):
                pltpu.make_async_copy(
                    tok_hbm.at[0], idx_b[b].at[pl.ds(j * seq, seq)],
                    i_sem[b]).wait()

        def fire_gather(b):
            pltpu.async_copy(table_hbm.at[idx_b[b]], rows_b[b], g_sem[b])

        def wait_gather(b):
            pltpu.make_async_copy(
                table_hbm.at[idx_b[b]], rows_b[b], g_sem[b]).wait()

        def fire_store(b, grp):
            pltpu.async_copy(
                rows_b[b],
                out_hbm.at[pl.ds(base_flat + grp * chunk, chunk),
                           pl.ds(0, dim)], s_sem[b])

        def wait_store(b):
            pltpu.make_async_copy(
                rows_b[b],
                out_hbm.at[pl.ds(base_flat, chunk), pl.ds(0, dim)],
                s_sem[b]).wait()

        fire_idx(0, 0)
        fire_idx(1, 1)
        wait_idx(0)
        fire_gather(0)
        wait_idx(1)
        fire_gather(1)
        wait_gather(0)
        fire_store(0, 0)
        fire_idx(0, 2)

        def outer(g, carry):
            c0 = 2 * g
            wait_idx(0)
            wait_store(0)
            fire_gather(0)
            wait_gather(1)
            fire_store(1, c0 - 1)
            fire_idx(1, c0 + 1)
            wait_idx(1)
            wait_store(1)
            fire_gather(1)
            wait_gather(0)
            fire_store(0, c0)
            fire_idx(0, jnp.minimum(c0 + 2, steps - 1))
            return carry

        lax.fori_loop(1, steps // 2, outer, 0)

        wait_gather(1)
        fire_store(1, steps - 1)
        wait_idx(0)
        wait_store(0)
        wait_store(1)

    return body(tokens, table)


def kernel(tokens, embedding_table):
    batch, seq = tokens.shape
    _, dim = embedding_table.shape
    out = _embed(tokens.astype(jnp.int32), embedding_table, batch, seq, dim)
    return out.reshape(batch, seq, 2 * dim)[:, :, :dim]

# --- scband reference (transcript-rebuilt; emitter-appended) ---
"""Pipeline reference for scband-input-embeddings-29437705847345 (READ-ONLY COPY).

The authoritative reference and input builder live on the scoring server;
editing this copy changes nothing except your own understanding.
"""

import jax, jax.numpy as jnp
import numpy as np

VOCAB = 1000000
DIM = 64
BATCH = 16384
SEQ = 200


def setup_inputs(seed: int = 0) -> dict:
    key = jax.random.key(seed)
    k_tok, k_emb = jax.random.split(key)
    tokens = jax.random.randint(k_tok, (BATCH, SEQ), 0, VOCAB, dtype=jnp.int64 if jax.config.jax_enable_x64 else jnp.int32)
    embedding_table = jax.random.normal(k_emb, (VOCAB, DIM), dtype=jnp.float32)
    return {"tokens": tokens, "embedding_table": embedding_table}


def reference(tokens, embedding_table):
    # nn.Embedding lookup: gather rows of the table by token id
    return jnp.take(embedding_table, tokens, axis=0)

if __name__ == "__main__":
    import jax
    _d = setup_inputs()
    print(jax.jit(kernel)(*tuple(_d.values())))

</pallas_src>

<mosaic_0001>
#map = affine_map<(d0, d1) -> (0, 0)>
module attributes {stable_mosaic.version = 14 : i64} {
  func.func @body(%arg0: i32, %arg1: i32, %arg2: memref<16384x200xi32, #tpu.memory_space<hbm>>, %arg3: memref<1000000x64xf32, #tpu.memory_space<hbm>>, %arg4: memref<3276800x128xf32, #tpu.memory_space<hbm>>, %arg5: memref<800xi32, #tpu.memory_space<vmem>>, %arg6: memref<800xi32, #tpu.memory_space<vmem>>, %arg7: memref<800x64xf32, #tpu.memory_space<vmem>>, %arg8: memref<800x64xf32, #tpu.memory_space<vmem>>, %arg9: memref<!tpu.dma_semaphore, #tpu.memory_space<semaphore_mem>>, %arg10: memref<!tpu.dma_semaphore, #tpu.memory_space<semaphore_mem>>, %arg11: memref<!tpu.dma_semaphore, #tpu.memory_space<semaphore_mem>>, %arg12: memref<!tpu.dma_semaphore, #tpu.memory_space<semaphore_mem>>, %arg13: memref<!tpu.dma_semaphore, #tpu.memory_space<semaphore_mem>>, %arg14: memref<!tpu.dma_semaphore, #tpu.memory_space<semaphore_mem>>) attributes {dimension_semantics = [#tpu.dimension_semantics<core_parallel>, #tpu.dimension_semantics<subcore_parallel>], iteration_bounds = array<i64: 2, 16>, scalar_prefetch = 0 : i64, scratch_operands = 10 : i64, tpu.core_type = #tpu.core_type<sc_vector_subcore>, window_params = [{transform_indices = #map}, {transform_indices = #map}, {transform_indices = #map}]} {
    %mul3A = arith.constant 2 : i32
    %mul3A_0 = arith.muli %arg1, %mul3A : i32
    %add3A = arith.addi %mul3A_0, %arg0 : i32
    %mul3A_1 = arith.constant 512 : i32
    %mul3A_2 = arith.muli %add3A, %mul3A_1 : i32
    %mul3A_3 = arith.constant 200 : i32
    %mul3A_4 = arith.muli %mul3A_2, %mul3A_3 : i32
    %add3A_5 = arith.constant 0 : i32
    %add3A_6 = arith.addi %mul3A_2, %add3A_5 : i32
    %add3A_7 = arith.constant 0 : i32
    %add3A_8 = arith.addi %add3A_6, %add3A_7 : i32
    %dma_start3A = arith.constant 0 : i32
    %dma_start3A_9 = tpu.memref_slice %arg5[%dma_start3A] : memref<800xi32, #tpu.memory_space<vmem>> -> memref<200xi32, #tpu.memory_space<vmem>>
    %dma_start3A_10 = arith.constant 0 : i32
    %dma_start3A_11 = tpu.memref_slice %arg2[%add3A_8, %dma_start3A_10] : memref<16384x200xi32, #tpu.memory_space<hbm>> -> memref<1x200xi32, #tpu.memory_space<hbm>>
    %dma_start3A_12 = tpu.memref_squeeze %dma_start3A_11 : memref<1x200xi32, #tpu.memory_space<hbm>> -> memref<200xi32, #tpu.memory_space<hbm>>
    %dma_start3A_13 = arith.constant 0 : i32
    %dma_start3A_14 = tpu.memref_slice %arg5[%dma_start3A_13] : memref<800xi32, #tpu.memory_space<vmem>> -> memref<200xi32, #tpu.memory_space<vmem>>
    %dma_start3A_15 = arith.constant 0 : i32
    %dma_start3A_16 = tpu.memref_slice %arg2[%add3A_8, %dma_start3A_15] : memref<16384x200xi32, #tpu.memory_space<hbm>> -> memref<1x200xi32, #tpu.memory_space<hbm>>
    %dma_start3A_17 = tpu.memref_squeeze %dma_start3A_16 : memref<1x200xi32, #tpu.memory_space<hbm>> -> memref<200xi32, #tpu.memory_space<hbm>>
    tpu.enqueue_dma source(%dma_start3A_17 : memref<200xi32, #tpu.memory_space<hbm>>) target(%dma_start3A_14 : memref<200xi32, #tpu.memory_space<vmem>>) target_semaphore(%arg9 : memref<!tpu.dma_semaphore, #tpu.memory_space<semaphore_mem>>)
    %add3A_18 = arith.constant 0 : i32
    %add3A_19 = arith.addi %mul3A_2, %add3A_18 : i32
    %add3A_20 = arith.constant 1 : i32
    %add3A_21 = arith.addi %add3A_19, %add3A_20 : i32
    %dma_start3A_22 = arith.constant 200 : i32
    %dma_start3A_23 = tpu.memref_slice %arg5[%dma_start3A_22] : memref<800xi32, #tpu.memory_space<vmem>> -> memref<200xi32, #tpu.memory_space<vmem>>
    %dma_start3A_24 = arith.constant 0 : i32
    %dma_start3A_25 = tpu.memref_slice %arg2[%add3A_21, %dma_start3A_24] : memref<16384x200xi32, #tpu.memory_space<hbm>> -> memref<1x200xi32, #tpu.memory_space<hbm>>
    %dma_start3A_26 = tpu.memref_squeeze %dma_start3A_25 : memref<1x200xi32, #tpu.memory_space<hbm>> -> memref<200xi32, #tpu.memory_space<hbm>>
    %dma_start3A_27 = arith.constant 200 : i32
    %dma_start3A_28 = tpu.memref_slice %arg5[%dma_start3A_27] : memref<800xi32, #tpu.memory_space<vmem>> -> memref<200xi32, #tpu.memory_space<vmem>>
    %dma_start3A_29 = arith.constant 0 : i32
    %dma_start3A_30 = tpu.memref_slice %arg2[%add3A_21, %dma_start3A_29] : memref<16384x200xi32, #tpu.memory_space<hbm>> -> memref<1x200xi32, #tpu.memory_space<hbm>>
    %dma_start3A_31 = tpu.memref_squeeze %dma_start3A_30 : memref<1x200xi32, #tpu.memory_space<hbm>> -> memref<200xi32, #tpu.memory_space<hbm>>
    tpu.enqueue_dma source(%dma_start3A_31 : memref<200xi32, #tpu.memory_space<hbm>>) target(%dma_start3A_28 : memref<200xi32, #tpu.memory_space<vmem>>) target_semaphore(%arg9 : memref<!tpu.dma_semaphore, #tpu.memory_space<semaphore_mem>>)
    %add3A_32 = arith.constant 0 : i32
    %add3A_33 = arith.addi %mul3A_2, %add3A_32 : i32
    %add3A_34 = arith.constant 2 : i32
    %add3A_35 = arith.addi %add3A_33, %add3A_34 : i32
    %dma_start3A_36 = arith.constant 400 : i32
    %dma_start3A_37 = tpu.memref_slice %arg5[%dma_start3A_36] : memref<800xi32, #tpu.memory_space<vmem>> -> memref<200xi32, #tpu.memory_space<vmem>>
    %dma_start3A_38 = arith.constant 0 : i32
    %dma_start3A_39 = tpu.memref_slice %arg2[%add3A_35, %dma_start3A_38] : memref<16384x200xi32, #tpu.memory_space<hbm>> -> memref<1x200xi32, #tpu.memory_space<hbm>>
    %dma_start3A_40 = tpu.memref_squeeze %dma_start3A_39 : memref<1x200xi32, #tpu.memory_space<hbm>> -> memref<200xi32, #tpu.memory_space<hbm>>
    %dma_start3A_41 = arith.constant 400 : i32
    %dma_start3A_42 = tpu.memref_slice %arg5[%dma_start3A_41] : memref<800xi32, #tpu.memory_space<vmem>> -> memref<200xi32, #tpu.memory_space<vmem>>
    %dma_start3A_43 = arith.constant 0 : i32
    %dma_start3A_44 = tpu.memref_slice %arg2[%add3A_35, %dma_start3A_43] : memref<16384x200xi32, #tpu.memory_space<hbm>> -> memref<1x200xi32, #tpu.memory_space<hbm>>
    %dma_start3A_45 = tpu.memref_squeeze %dma_start3A_44 : memref<1x200xi32, #tpu.memory_space<hbm>> -> memref<200xi32, #tpu.memory_space<hbm>>
    tpu.enqueue_dma source(%dma_start3A_45 : memref<200xi32, #tpu.memory_space<hbm>>) target(%dma_start3A_42 : memref<200xi32, #tpu.memory_space<vmem>>) target_semaphore(%arg9 : memref<!tpu.dma_semaphore, #tpu.memory_space<semaphore_mem>>)
    %add3A_46 = arith.constant 0 : i32
    %add3A_47 = arith.addi %mul3A_2, %add3A_46 : i32
    %add3A_48 = arith.constant 3 : i32
    %add3A_49 = arith.addi %add3A_47, %add3A_48 : i32
    %dma_start3A_50 = arith.constant 600 : i32
    %dma_start3A_51 = tpu.memref_slice %arg5[%dma_start3A_50] : memref<800xi32, #tpu.memory_space<vmem>> -> memref<200xi32, #tpu.memory_space<vmem>>
    %dma_start3A_52 = arith.constant 0 : i32
    %dma_start3A_53 = tpu.memref_slice %arg2[%add3A_49, %dma_start3A_52] : memref<16384x200xi32, #tpu.memory_space<hbm>> -> memref<1x200xi32, #tpu.memory_space<hbm>>
    %dma_start3A_54 = tpu.memref_squeeze %dma_start3A_53 : memref<1x200xi32, #tpu.memory_space<hbm>> -> memref<200xi32, #tpu.memory_space<hbm>>
    %dma_start3A_55 = arith.constant 600 : i32
    %dma_start3A_56 = tpu.memref_slice %arg5[%dma_start3A_55] : memref<800xi32, #tpu.memory_space<vmem>> -> memref<200xi32, #tpu.memory_space<vmem>>
    %dma_start3A_57 = arith.constant 0 : i32
    %dma_start3A_58 = tpu.memref_slice %arg2[%add3A_49, %dma_start3A_57] : memref<16384x200xi32, #tpu.memory_space<hbm>> -> memref<1x200xi32, #tpu.memory_space<hbm>>
    %dma_start3A_59 = tpu.memref_squeeze %dma_start3A_58 : memref<1x200xi32, #tpu.memory_space<hbm>> -> memref<200xi32, #tpu.memory_space<hbm>>
    tpu.enqueue_dma source(%dma_start3A_59 : memref<200xi32, #tpu.memory_space<hbm>>) target(%dma_start3A_56 : memref<200xi32, #tpu.memory_space<vmem>>) target_semaphore(%arg9 : memref<!tpu.dma_semaphore, #tpu.memory_space<semaphore_mem>>)
    %add3A_60 = arith.constant 4 : i32
    %add3A_61 = arith.addi %mul3A_2, %add3A_60 : i32
    %add3A_62 = arith.constant 0 : i32
    %add3A_63 = arith.addi %add3A_61, %add3A_62 : i32
    %dma_start3A_64 = arith.constant 0 : i32
    %dma_start3A_65 = tpu.memref_slice %arg6[%dma_start3A_64] : memref<800xi32, #tpu.memory_space<vmem>> -> memref<200xi32, #tpu.memory_space<vmem>>
    %dma_start3A_66 = arith.constant 0 : i32
    %dma_start3A_67 = tpu.memref_slice %arg2[%add3A_63, %dma_start3A_66] : memref<16384x200xi32, #tpu.memory_space<hbm>> -> memref<1x200xi32, #tpu.memory_space<hbm>>
    %dma_start3A_68 = tpu.memref_squeeze %dma_start3A_67 : memref<1x200xi32, #tpu.memory_space<hbm>> -> memref<200xi32, #tpu.memory_space<hbm>>
    %dma_start3A_69 = arith.constant 0 : i32
    %dma_start3A_70 = tpu.memref_slice %arg6[%dma_start3A_69] : memref<800xi32, #tpu.memory_space<vmem>> -> memref<200xi32, #tpu.memory_space<vmem>>
    %dma_start3A_71 = arith.constant 0 : i32
    %dma_start3A_72 = tpu.memref_slice %arg2[%add3A_63, %dma_start3A_71] : memref<16384x200xi32, #tpu.memory_space<hbm>> -> memref<1x200xi32, #tpu.memory_space<hbm>>
    %dma_start3A_73 = tpu.memref_squeeze %dma_start3A_72 : memref<1x200xi32, #tpu.memory_space<hbm>> -> memref<200xi32, #tpu.memory_space<hbm>>
    tpu.enqueue_dma source(%dma_start3A_73 : memref<200xi32, #tpu.memory_space<hbm>>) target(%dma_start3A_70 : memref<200xi32, #tpu.memory_space<vmem>>) target_semaphore(%arg10 : memref<!tpu.dma_semaphore, #tpu.memory_space<semaphore_mem>>)
    %add3A_74 = arith.constant 4 : i32
    %add3A_75 = arith.addi %mul3A_2, %add3A_74 : i32
    %add3A_76 = arith.constant 1 : i32
    %add3A_77 = arith.addi %add3A_75, %add3A_76 : i32
    %dma_start3A_78 = arith.constant 200 : i32
    %dma_start3A_79 = tpu.memref_slice %arg6[%dma_start3A_78] : memref<800xi32, #tpu.memory_space<vmem>> -> memref<200xi32, #tpu.memory_space<vmem>>
    %dma_start3A_80 = arith.constant 0 : i32
    %dma_start3A_81 = tpu.memref_slice %arg2[%add3A_77, %dma_start3A_80] : memref<16384x200xi32, #tpu.memory_space<hbm>> -> memref<1x200xi32, #tpu.memory_space<hbm>>
    %dma_start3A_82 = tpu.memref_squeeze %dma_start3A_81 : memref<1x200xi32, #tpu.memory_space<hbm>> -> memref<200xi32, #tpu.memory_space<hbm>>
    %dma_start3A_83 = arith.constant 200 : i32
    %dma_start3A_84 = tpu.memref_slice %arg6[%dma_start3A_83] : memref<800xi32, #tpu.memory_space<vmem>> -> memref<200xi32, #tpu.memory_space<vmem>>
    %dma_start3A_85 = arith.constant 0 : i32
    %dma_start3A_86 = tpu.memref_slice %arg2[%add3A_77, %dma_start3A_85] : memref<16384x200xi32, #tpu.memory_space<hbm>> -> memref<1x200xi32, #tpu.memory_space<hbm>>
    %dma_start3A_87 = tpu.memref_squeeze %dma_start3A_86 : memref<1x200xi32, #tpu.memory_space<hbm>> -> memref<200xi32, #tpu.memory_space<hbm>>
    tpu.enqueue_dma source(%dma_start3A_87 : memref<200xi32, #tpu.memory_space<hbm>>) target(%dma_start3A_84 : memref<200xi32, #tpu.memory_space<vmem>>) target_semaphore(%arg10 : memref<!tpu.dma_semaphore, #tpu.memory_space<semaphore_mem>>)
    %add3A_88 = arith.constant 4 : i32
    %add3A_89 = arith.addi %mul3A_2, %add3A_88 : i32
    %add3A_90 = arith.constant 2 : i32
    %add3A_91 = arith.addi %add3A_89, %add3A_90 : i32
    %dma_start3A_92 = arith.constant 400 : i32
    %dma_start3A_93 = tpu.memref_slice %arg6[%dma_start3A_92] : memref<800xi32, #tpu.memory_space<vmem>> -> memref<200xi32, #tpu.memory_space<vmem>>
    %dma_start3A_94 = arith.constant 0 : i32
    %dma_start3A_95 = tpu.memref_slice %arg2[%add3A_91, %dma_start3A_94] : memref<16384x200xi32, #tpu.memory_space<hbm>> -> memref<1x200xi32, #tpu.memory_space<hbm>>
    %dma_start3A_96 = tpu.memref_squeeze %dma_start3A_95 : memref<1x200xi32, #tpu.memory_space<hbm>> -> memref<200xi32, #tpu.memory_space<hbm>>
    %dma_start3A_97 = arith.constant 400 : i32
    %dma_start3A_98 = tpu.memref_slice %arg6[%dma_start3A_97] : memref<800xi32, #tpu.memory_space<vmem>> -> memref<200xi32, #tpu.memory_space<vmem>>
    %dma_start3A_99 = arith.constant 0 : i32
    %dma_start3A_100 = tpu.memref_slice %arg2[%add3A_91, %dma_start3A_99] : memref<16384x200xi32, #tpu.memory_space<hbm>> -> memref<1x200xi32, #tpu.memory_space<hbm>>
    %dma_start3A_101 = tpu.memref_squeeze %dma_start3A_100 : memref<1x200xi32, #tpu.memory_space<hbm>> -> memref<200xi32, #tpu.memory_space<hbm>>
    tpu.enqueue_dma source(%dma_start3A_101 : memref<200xi32, #tpu.memory_space<hbm>>) target(%dma_start3A_98 : memref<200xi32, #tpu.memory_space<vmem>>) target_semaphore(%arg10 : memref<!tpu.dma_semaphore, #tpu.memory_space<semaphore_mem>>)
    %add3A_102 = arith.constant 4 : i32
    %add3A_103 = arith.addi %mul3A_2, %add3A_102 : i32
    %add3A_104 = arith.constant 3 : i32
    %add3A_105 = arith.addi %add3A_103, %add3A_104 : i32
    %dma_start3A_106 = arith.constant 600 : i32
    %dma_start3A_107 = tpu.memref_slice %arg6[%dma_start3A_106] : memref<800xi32, #tpu.memory_space<vmem>> -> memref<200xi32, #tpu.memory_space<vmem>>
    %dma_start3A_108 = arith.constant 0 : i32
    %dma_start3A_109 = tpu.memref_slice %arg2[%add3A_105, %dma_start3A_108] : memref<16384x200xi32, #tpu.memory_space<hbm>> -> memref<1x200xi32, #tpu.memory_space<hbm>>
    %dma_start3A_110 = tpu.memref_squeeze %dma_start3A_109 : memref<1x200xi32, #tpu.memory_space<hbm>> -> memref<200xi32, #tpu.memory_space<hbm>>
    %dma_start3A_111 = arith.constant 600 : i32
    %dma_start3A_112 = tpu.memref_slice %arg6[%dma_start3A_111] : memref<800xi32, #tpu.memory_space<vmem>> -> memref<200xi32, #tpu.memory_space<vmem>>
    %dma_start3A_113 = arith.constant 0 : i32
    %dma_start3A_114 = tpu.memref_slice %arg2[%add3A_105, %dma_start3A_113] : memref<16384x200xi32, #tpu.memory_space<hbm>> -> memref<1x200xi32, #tpu.memory_space<hbm>>
    %dma_start3A_115 = tpu.memref_squeeze %dma_start3A_114 : memref<1x200xi32, #tpu.memory_space<hbm>> -> memref<200xi32, #tpu.memory_space<hbm>>
    tpu.enqueue_dma source(%dma_start3A_115 : memref<200xi32, #tpu.memory_space<hbm>>) target(%dma_start3A_112 : memref<200xi32, #tpu.memory_space<vmem>>) target_semaphore(%arg10 : memref<!tpu.dma_semaphore, #tpu.memory_space<semaphore_mem>>)
    %dma_wait3A = arith.constant 0 : i32
    %dma_wait3A_116 = arith.constant 0 : i32
    %dma_wait3A_117 = tpu.memref_slice %arg5[%dma_wait3A_116] : memref<800xi32, #tpu.memory_space<vmem>> -> memref<200xi32, #tpu.memory_space<vmem>>
    %dma_wait3A_118 = arith.constant 0 : i32
    %dma_wait3A_119 = tpu.memref_slice %arg2[%dma_wait3A, %dma_wait3A_118] : memref<16384x200xi32, #tpu.memory_space<hbm>> -> memref<1x200xi32, #tpu.memory_space<hbm>>
    %dma_wait3A_120 = tpu.memref_squeeze %dma_wait3A_119 : memref<1x200xi32, #tpu.memory_space<hbm>> -> memref<200xi32, #tpu.memory_space<hbm>>
    %dma_wait3A_121 = arith.constant 0 : i32
    %dma_wait3A_122 = tpu.memref_slice %arg5[%dma_wait3A_121] : memref<800xi32, #tpu.memory_space<vmem>> -> memref<200xi32, #tpu.memory_space<vmem>>
    %dma_wait3A_123 = arith.constant 0 : i32
    %dma_wait3A_124 = tpu.memref_slice %arg2[%dma_wait3A, %dma_wait3A_123] : memref<16384x200xi32, #tpu.memory_space<hbm>> -> memref<1x200xi32, #tpu.memory_space<hbm>>
    %dma_wait3A_125 = tpu.memref_squeeze %dma_wait3A_124 : memref<1x200xi32, #tpu.memory_space<hbm>> -> memref<200xi32, #tpu.memory_space<hbm>>
    tpu.wait_dma2 semaphore(%arg9 : memref<!tpu.dma_semaphore, #tpu.memory_space<semaphore_mem>>) src(%dma_wait3A_125 : memref<200xi32, #tpu.memory_space<hbm>>) dst(%dma_wait3A_122 : memref<200xi32, #tpu.memory_space<vmem>>)
    %dma_wait3A_126 = arith.constant 0 : i32
    %dma_wait3A_127 = arith.constant 200 : i32
    %dma_wait3A_128 = tpu.memref_slice %arg5[%dma_wait3A_127] : memref<800xi32, #tpu.memory_space<vmem>> -> memref<200xi32, #tpu.memory_space<vmem>>
    %dma_wait3A_129 = arith.constant 0 : i32
    %dma_wait3A_130 = tpu.memref_slice %arg2[%dma_wait3A_126, %dma_wait3A_129] : memref<16384x200xi32, #tpu.memory_space<hbm>> -> memref<1x200xi32, #tpu.memory_space<hbm>>
    %dma_wait3A_131 = tpu.memref_squeeze %dma_wait3A_130 : memref<1x200xi32, #tpu.memory_space<hbm>> -> memref<200xi32, #tpu.memory_space<hbm>>
    %dma_wait3A_132 = arith.constant 200 : i32
    %dma_wait3A_133 = tpu.memref_slice %arg5[%dma_wait3A_132] : memref<800xi32, #tpu.memory_space<vmem>> -> memref<200xi32, #tpu.memory_space<vmem>>
    %dma_wait3A_134 = arith.constant 0 : i32
    %dma_wait3A_135 = tpu.memref_slice %arg2[%dma_wait3A_126, %dma_wait3A_134] : memref<16384x200xi32, #tpu.memory_space<hbm>> -> memref<1x200xi32, #tpu.memory_space<hbm>>
    %dma_wait3A_136 = tpu.memref_squeeze %dma_wait3A_135 : memref<1x200xi32, #tpu.memory_space<hbm>> -> memref<200xi32, #tpu.memory_space<hbm>>
    tpu.wait_dma2 semaphore(%arg9 : memref<!tpu.dma_semaphore, #tpu.memory_space<semaphore_mem>>) src(%dma_wait3A_136 : memref<200xi32, #tpu.memory_space<hbm>>) dst(%dma_wait3A_133 : memref<200xi32, #tpu.memory_space<vmem>>)
    %dma_wait3A_137 = arith.constant 0 : i32
    %dma_wait3A_138 = arith.constant 400 : i32
    %dma_wait3A_139 = tpu.memref_slice %arg5[%dma_wait3A_138] : memref<800xi32, #tpu.memory_space<vmem>> -> memref<200xi32, #tpu.memory_space<vmem>>
    %dma_wait3A_140 = arith.constant 0 : i32
    %dma_wait3A_141 = tpu.memref_slice %arg2[%dma_wait3A_137, %dma_wait3A_140] : memref<16384x200xi32, #tpu.memory_space<hbm>> -> memref<1x200xi32, #tpu.memory_space<hbm>>
    %dma_wait3A_142 = tpu.memref_squeeze %dma_wait3A_141 : memref<1x200xi32, #tpu.memory_space<hbm>> -> memref<200xi32, #tpu.memory_space<hbm>>
    %dma_wait3A_143 = arith.constant 400 : i32
    %dma_wait3A_144 = tpu.memref_slice %arg5[%dma_wait3A_143] : memref<800xi32, #tpu.memory_space<vmem>> -> memref<200xi32, #tpu.memory_space<vmem>>
    %dma_wait3A_145 = arith.constant 0 : i32
    %dma_wait3A_146 = tpu.memref_slice %arg2[%dma_wait3A_137, %dma_wait3A_145] : memref<16384x200xi32, #tpu.memory_space<hbm>> -> memref<1x200xi32, #tpu.memory_space<hbm>>
    %dma_wait3A_147 = tpu.memref_squeeze %dma_wait3A_146 : memref<1x200xi32, #tpu.memory_space<hbm>> -> memref<200xi32, #tpu.memory_space<hbm>>
    tpu.wait_dma2 semaphore(%arg9 : memref<!tpu.dma_semaphore, #tpu.memory_space<semaphore_mem>>) src(%dma_wait3A_147 : memref<200xi32, #tpu.memory_space<hbm>>) dst(%dma_wait3A_144 : memref<200xi32, #tpu.memory_space<vmem>>)
    %dma_wait3A_148 = arith.constant 0 : i32
    %dma_wait3A_149 = arith.constant 600 : i32
    %dma_wait3A_150 = tpu.memref_slice %arg5[%dma_wait3A_149] : memref<800xi32, #tpu.memory_space<vmem>> -> memref<200xi32, #tpu.memory_space<vmem>>
    %dma_wait3A_151 = arith.constant 0 : i32
    %dma_wait3A_152 = tpu.memref_slice %arg2[%dma_wait3A_148, %dma_wait3A_151] : memref<16384x200xi32, #tpu.memory_space<hbm>> -> memref<1x200xi32, #tpu.memory_space<hbm>>
    %dma_wait3A_153 = tpu.memref_squeeze %dma_wait3A_152 : memref<1x200xi32, #tpu.memory_space<hbm>> -> memref<200xi32, #tpu.memory_space<hbm>>
    %dma_wait3A_154 = arith.constant 600 : i32
    %dma_wait3A_155 = tpu.memref_slice %arg5[%dma_wait3A_154] : memref<800xi32, #tpu.memory_space<vmem>> -> memref<200xi32, #tpu.memory_space<vmem>>
    %dma_wait3A_156 = arith.constant 0 : i32
    %dma_wait3A_157 = tpu.memref_slice %arg2[%dma_wait3A_148, %dma_wait3A_156] : memref<16384x200xi32, #tpu.memory_space<hbm>> -> memref<1x200xi32, #tpu.memory_space<hbm>>
    %dma_wait3A_158 = tpu.memref_squeeze %dma_wait3A_157 : memref<1x200xi32, #tpu.memory_space<hbm>> -> memref<200xi32, #tpu.memory_space<hbm>>
    tpu.wait_dma2 semaphore(%arg9 : memref<!tpu.dma_semaphore, #tpu.memory_space<semaphore_mem>>) src(%dma_wait3A_158 : memref<200xi32, #tpu.memory_space<hbm>>) dst(%dma_wait3A_155 : memref<200xi32, #tpu.memory_space<vmem>>)
    %dma_start3A_159 = arith.constant 0 : i32
    %dma_start3A_160 = arith.constant 0 : i32
    %dma_start3A_161 = tpu.memref_slice %arg3[%dma_start3A_159, %dma_start3A_160] : memref<1000000x64xf32, #tpu.memory_space<hbm>> -> memref<1000000x64xf32, #tpu.memory_space<hbm>>
    tpu.enqueue_indirect_dma source(%dma_start3A_161 : memref<1000000x64xf32, #tpu.memory_space<hbm>>) target(%arg7 : memref<800x64xf32, #tpu.memory_space<vmem>>) offsets(%arg5 : memref<800xi32, #tpu.memory_space<vmem>>) semaphore(%arg11 : memref<!tpu.dma_semaphore, #tpu.memory_space<semaphore_mem>>)
    %dma_wait3A_162 = arith.constant 0 : i32
    %dma_wait3A_163 = arith.constant 0 : i32
    %dma_wait3A_164 = tpu.memref_slice %arg6[%dma_wait3A_163] : memref<800xi32, #tpu.memory_space<vmem>> -> memref<200xi32, #tpu.memory_space<vmem>>
    %dma_wait3A_165 = arith.constant 0 : i32
    %dma_wait3A_166 = tpu.memref_slice %arg2[%dma_wait3A_162, %dma_wait3A_165] : memref<16384x200xi32, #tpu.memory_space<hbm>> -> memref<1x200xi32, #tpu.memory_space<hbm>>
    %dma_wait3A_167 = tpu.memref_squeeze %dma_wait3A_166 : memref<1x200xi32, #tpu.memory_space<hbm>> -> memref<200xi32, #tpu.memory_space<hbm>>
    %dma_wait3A_168 = arith.constant 0 : i32
    %dma_wait3A_169 = tpu.memref_slice %arg6[%dma_wait3A_168] : memref<800xi32, #tpu.memory_space<vmem>> -> memref<200xi32, #tpu.memory_space<vmem>>
    %dma_wait3A_170 = arith.constant 0 : i32
    %dma_wait3A_171 = tpu.memref_slice %arg2[%dma_wait3A_162, %dma_wait3A_170] : memref<16384x200xi32, #tpu.memory_space<hbm>> -> memref<1x200xi32, #tpu.memory_space<hbm>>
    %dma_wait3A_172 = tpu.memref_squeeze %dma_wait3A_171 : memref<1x200xi32, #tpu.memory_space<hbm>> -> memref<200xi32, #tpu.memory_space<hbm>>
    tpu.wait_dma2 semaphore(%arg10 : memref<!tpu.dma_semaphore, #tpu.memory_space<semaphore_mem>>) src(%dma_wait3A_172 : memref<200xi32, #tpu.memory_space<hbm>>) dst(%dma_wait3A_169 : memref<200xi32, #tpu.memory_space<vmem>>)
    %dma_wait3A_173 = arith.constant 0 : i32
    %dma_wait3A_174 = arith.constant 200 : i32
    %dma_wait3A_175 = tpu.memref_slice %arg6[%dma_wait3A_174] : memref<800xi32, #tpu.memory_space<vmem>> -> memref<200xi32, #tpu.memory_space<vmem>>
    %dma_wait3A_176 = arith.constant 0 : i32
    %dma_wait3A_177 = tpu.memref_slice %arg2[%dma_wait3A_173, %dma_wait3A_176] : memref<16384x200xi32, #tpu.memory_space<hbm>> -> memref<1x200xi32, #tpu.memory_space<hbm>>
    %dma_wait3A_178 = tpu.memref_squeeze %dma_wait3A_177 : memref<1x200xi32, #tpu.memory_space<hbm>> -> memref<200xi32, #tpu.memory_space<hbm>>
    %dma_wait3A_179 = arith.constant 200 : i32
    %dma_wait3A_180 = tpu.memref_slice %arg6[%dma_wait3A_179] : memref<800xi32, #tpu.memory_space<vmem>> -> memref<200xi32, #tpu.memory_space<vmem>>
    %dma_wait3A_181 = arith.constant 0 : i32
    %dma_wait3A_182 = tpu.memref_slice %arg2[%dma_wait3A_173, %dma_wait3A_181] : memref<16384x200xi32, #tpu.memory_space<hbm>> -> memref<1x200xi32, #tpu.memory_space<hbm>>
    %dma_wait3A_183 = tpu.memref_squeeze %dma_wait3A_182 : memref<1x200xi32, #tpu.memory_space<hbm>> -> memref<200xi32, #tpu.memory_space<hbm>>
    tpu.wait_dma2 semaphore(%arg10 : memref<!tpu.dma_semaphore, #tpu.memory_space<semaphore_mem>>) src(%dma_wait3A_183 : memref<200xi32, #tpu.memory_space<hbm>>) dst(%dma_wait3A_180 : memref<200xi32, #tpu.memory_space<vmem>>)
    %dma_wait3A_184 = arith.constant 0 : i32
    %dma_wait3A_185 = arith.constant 400 : i32
    %dma_wait3A_186 = tpu.memref_slice %arg6[%dma_wait3A_185] : memref<800xi32, #tpu.memory_space<vmem>> -> memref<200xi32, #tpu.memory_space<vmem>>
    %dma_wait3A_187 = arith.constant 0 : i32
    %dma_wait3A_188 = tpu.memref_slice %arg2[%dma_wait3A_184, %dma_wait3A_187] : memref<16384x200xi32, #tpu.memory_space<hbm>> -> memref<1x200xi32, #tpu.memory_space<hbm>>
    %dma_wait3A_189 = tpu.memref_squeeze %dma_wait3A_188 : memref<1x200xi32, #tpu.memory_space<hbm>> -> memref<200xi32, #tpu.memory_space<hbm>>
    %dma_wait3A_190 = arith.constant 400 : i32
    %dma_wait3A_191 = tpu.memref_slice %arg6[%dma_wait3A_190] : memref<800xi32, #tpu.memory_space<vmem>> -> memref<200xi32, #tpu.memory_space<vmem>>
    %dma_wait3A_192 = arith.constant 0 : i32
    %dma_wait3A_193 = tpu.memref_slice %arg2[%dma_wait3A_184, %dma_wait3A_192] : memref<16384x200xi32, #tpu.memory_space<hbm>> -> memref<1x200xi32, #tpu.memory_space<hbm>>
    %dma_wait3A_194 = tpu.memref_squeeze %dma_wait3A_193 : memref<1x200xi32, #tpu.memory_space<hbm>> -> memref<200xi32, #tpu.memory_space<hbm>>
    tpu.wait_dma2 semaphore(%arg10 : memref<!tpu.dma_semaphore, #tpu.memory_space<semaphore_mem>>) src(%dma_wait3A_194 : memref<200xi32, #tpu.memory_space<hbm>>) dst(%dma_wait3A_191 : memref<200xi32, #tpu.memory_space<vmem>>)
    %dma_wait3A_195 = arith.constant 0 : i32
    %dma_wait3A_196 = arith.constant 600 : i32
    %dma_wait3A_197 = tpu.memref_slice %arg6[%dma_wait3A_196] : memref<800xi32, #tpu.memory_space<vmem>> -> memref<200xi32, #tpu.memory_space<vmem>>
    %dma_wait3A_198 = arith.constant 0 : i32
    %dma_wait3A_199 = tpu.memref_slice %arg2[%dma_wait3A_195, %dma_wait3A_198] : memref<16384x200xi32, #tpu.memory_space<hbm>> -> memref<1x200xi32, #tpu.memory_space<hbm>>
    %dma_wait3A_200 = tpu.memref_squeeze %dma_wait3A_199 : memref<1x200xi32, #tpu.memory_space<hbm>> -> memref<200xi32, #tpu.memory_space<hbm>>
    %dma_wait3A_201 = arith.constant 600 : i32
    %dma_wait3A_202 = tpu.memref_slice %arg6[%dma_wait3A_201] : memref<800xi32, #tpu.memory_space<vmem>> -> memref<200xi32, #tpu.memory_space<vmem>>
    %dma_wait3A_203 = arith.constant 0 : i32
    %dma_wait3A_204 = tpu.memref_slice %arg2[%dma_wait3A_195, %dma_wait3A_203] : memref<16384x200xi32, #tpu.memory_space<hbm>> -> memref<1x200xi32, #tpu.memory_space<hbm>>
    %dma_wait3A_205 = tpu.memref_squeeze %dma_wait3A_204 : memref<1x200xi32, #tpu.memory_space<hbm>> -> memref<200xi32, #tpu.memory_space<hbm>>
    tpu.wait_dma2 semaphore(%arg10 : memref<!tpu.dma_semaphore, #tpu.memory_space<semaphore_mem>>) src(%dma_wait3A_205 : memref<200xi32, #tpu.memory_space<hbm>>) dst(%dma_wait3A_202 : memref<200xi32, #tpu.memory_space<vmem>>)
    %dma_start3A_206 = arith.constant 0 : i32
    %dma_start3A_207 = arith.constant 0 : i32
    %dma_start3A_208 = tpu.memref_slice %arg3[%dma_start3A_206, %dma_start3A_207] : memref<1000000x64xf32, #tpu.memory_space<hbm>> -> memref<1000000x64xf32, #tpu.memory_space<hbm>>
    tpu.enqueue_indirect_dma source(%dma_start3A_208 : memref<1000000x64xf32, #tpu.memory_space<hbm>>) target(%arg8 : memref<800x64xf32, #tpu.memory_space<vmem>>) offsets(%arg6 : memref<800xi32, #tpu.memory_space<vmem>>) semaphore(%arg12 : memref<!tpu.dma_semaphore, #tpu.memory_space<semaphore_mem>>)
    %dma_wait3A_209 = arith.constant 0 : i32
    %dma_wait3A_210 = arith.constant 0 : i32
    %dma_wait3A_211 = tpu.memref_slice %arg3[%dma_wait3A_209, %dma_wait3A_210] : memref<1000000x64xf32, #tpu.memory_space<hbm>> -> memref<1000000x64xf32, #tpu.memory_space<hbm>>
    tpu.wait_indirect_dma semaphore(%arg11 : memref<!tpu.dma_semaphore, #tpu.memory_space<semaphore_mem>>) src(%dma_wait3A_211 : memref<1000000x64xf32, #tpu.memory_space<hbm>>) dst(%arg7 : memref<800x64xf32, #tpu.memory_space<vmem>>)
    %add3A_212 = arith.constant 0 : i32
    %add3A_213 = arith.addi %mul3A_4, %add3A_212 : i32
    %dma_start3A_214 = arith.constant 0 : i32
    %dma_start3A_215 = tpu.memref_slice %arg4[%add3A_213, %dma_start3A_214] : memref<3276800x128xf32, #tpu.memory_space<hbm>> -> memref<800x64xf32, #tpu.memory_space<hbm>>
    %dma_start3A_216 = arith.constant 0 : i32
    %dma_start3A_217 = tpu.memref_slice %arg4[%add3A_213, %dma_start3A_216] : memref<3276800x128xf32, #tpu.memory_space<hbm>> -> memref<800x64xf32, #tpu.memory_space<hbm>>
    tpu.enqueue_dma source(%arg7 : memref<800x64xf32, #tpu.memory_space<vmem>>) target(%dma_start3A_217 : memref<800x64xf32, #tpu.memory_space<hbm>>) target_semaphore(%arg13 : memref<!tpu.dma_semaphore, #tpu.memory_space<semaphore_mem>>)
    %add3A_218 = arith.constant 8 : i32
    %add3A_219 = arith.addi %mul3A_2, %add3A_218 : i32
    %add3A_220 = arith.constant 0 : i32
    %add3A_221 = arith.addi %add3A_219, %add3A_220 : i32
    %dma_start3A_222 = arith.constant 0 : i32
    %dma_start3A_223 = tpu.memref_slice %arg5[%dma_start3A_222] : memref<800xi32, #tpu.memory_space<vmem>> -> memref<200xi32, #tpu.memory_space<vmem>>
    %dma_start3A_224 = arith.constant 0 : i32
    %dma_start3A_225 = tpu.memref_slice %arg2[%add3A_221, %dma_start3A_224] : memref<16384x200xi32, #tpu.memory_space<hbm>> -> memref<1x200xi32, #tpu.memory_space<hbm>>
    %dma_start3A_226 = tpu.memref_squeeze %dma_start3A_225 : memref<1x200xi32, #tpu.memory_space<hbm>> -> memref<200xi32, #tpu.memory_space<hbm>>
    %dma_start3A_227 = arith.constant 0 : i32
    %dma_start3A_228 = tpu.memref_slice %arg5[%dma_start3A_227] : memref<800xi32, #tpu.memory_space<vmem>> -> memref<200xi32, #tpu.memory_space<vmem>>
    %dma_start3A_229 = arith.constant 0 : i32
    %dma_start3A_230 = tpu.memref_slice %arg2[%add3A_221, %dma_start3A_229] : memref<16384x200xi32, #tpu.memory_space<hbm>> -> memref<1x200xi32, #tpu.memory_space<hbm>>
    %dma_start3A_231 = tpu.memref_squeeze %dma_start3A_230 : memref<1x200xi32, #tpu.memory_space<hbm>> -> memref<200xi32, #tpu.memory_space<hbm>>
    tpu.enqueue_dma source(%dma_start3A_231 : memref<200xi32, #tpu.memory_space<hbm>>) target(%dma_start3A_228 : memref<200xi32, #tpu.memory_space<vmem>>) target_semaphore(%arg9 : memref<!tpu.dma_semaphore, #tpu.memory_space<semaphore_mem>>)
    %add3A_232 = arith.constant 8 : i32
    %add3A_233 = arith.addi %mul3A_2, %add3A_232 : i32
    %add3A_234 = arith.constant 1 : i32
    %add3A_235 = arith.addi %add3A_233, %add3A_234 : i32
    %dma_start3A_236 = arith.constant 200 : i32
    %dma_start3A_237 = tpu.memref_slice %arg5[%dma_start3A_236] : memref<800xi32, #tpu.memory_space<vmem>> -> memref<200xi32, #tpu.memory_space<vmem>>
    %dma_start3A_238 = arith.constant 0 : i32
    %dma_start3A_239 = tpu.memref_slice %arg2[%add3A_235, %dma_start3A_238] : memref<16384x200xi32, #tpu.memory_space<hbm>> -> memref<1x200xi32, #tpu.memory_space<hbm>>
    %dma_start3A_240 = tpu.memref_squeeze %dma_start3A_239 : memref<1x200xi32, #tpu.memory_space<hbm>> -> memref<200xi32, #tpu.memory_space<hbm>>
    %dma_start3A_241 = arith.constant 200 : i32
    %dma_start3A_242 = tpu.memref_slice %arg5[%dma_start3A_241] : memref<800xi32, #tpu.memory_space<vmem>> -> memref<200xi32, #tpu.memory_space<vmem>>
    %dma_start3A_243 = arith.constant 0 : i32
    %dma_start3A_244 = tpu.memref_slice %arg2[%add3A_235, %dma_start3A_243] : memref<16384x200xi32, #tpu.memory_space<hbm>> -> memref<1x200xi32, #tpu.memory_space<hbm>>
    %dma_start3A_245 = tpu.memref_squeeze %dma_start3A_244 : memref<1x200xi32, #tpu.memory_space<hbm>> -> memref<200xi32, #tpu.memory_space<hbm>>
    tpu.enqueue_dma source(%dma_start3A_245 : memref<200xi32, #tpu.memory_space<hbm>>) target(%dma_start3A_242 : memref<200xi32, #tpu.memory_space<vmem>>) target_semaphore(%arg9 : memref<!tpu.dma_semaphore, #tpu.memory_space<semaphore_mem>>)
    %add3A_246 = arith.constant 8 : i32
    %add3A_247 = arith.addi %mul3A_2, %add3A_246 : i32
    %add3A_248 = arith.constant 2 : i32
    %add3A_249 = arith.addi %add3A_247, %add3A_248 : i32
    %dma_start3A_250 = arith.constant 400 : i32
    %dma_start3A_251 = tpu.memref_slice %arg5[%dma_start3A_250] : memref<800xi32, #tpu.memory_space<vmem>> -> memref<200xi32, #tpu.memory_space<vmem>>
    %dma_start3A_252 = arith.constant 0 : i32
    %dma_start3A_253 = tpu.memref_slice %arg2[%add3A_249, %dma_start3A_252] : memref<16384x200xi32, #tpu.memory_space<hbm>> -> memref<1x200xi32, #tpu.memory_space<hbm>>
    %dma_start3A_254 = tpu.memref_squeeze %dma_start3A_253 : memref<1x200xi32, #tpu.memory_space<hbm>> -> memref<200xi32, #tpu.memory_space<hbm>>
    %dma_start3A_255 = arith.constant 400 : i32
    %dma_start3A_256 = tpu.memref_slice %arg5[%dma_start3A_255] : memref<800xi32, #tpu.memory_space<vmem>> -> memref<200xi32, #tpu.memory_space<vmem>>
    %dma_start3A_257 = arith.constant 0 : i32
    %dma_start3A_258 = tpu.memref_slice %arg2[%add3A_249, %dma_start3A_257] : memref<16384x200xi32, #tpu.memory_space<hbm>> -> memref<1x200xi32, #tpu.memory_space<hbm>>
    %dma_start3A_259 = tpu.memref_squeeze %dma_start3A_258 : memref<1x200xi32, #tpu.memory_space<hbm>> -> memref<200xi32, #tpu.memory_space<hbm>>
    tpu.enqueue_dma source(%dma_start3A_259 : memref<200xi32, #tpu.memory_space<hbm>>) target(%dma_start3A_256 : memref<200xi32, #tpu.memory_space<vmem>>) target_semaphore(%arg9 : memref<!tpu.dma_semaphore, #tpu.memory_space<semaphore_mem>>)
    %add3A_260 = arith.constant 8 : i32
    %add3A_261 = arith.addi %mul3A_2, %add3A_260 : i32
    %add3A_262 = arith.constant 3 : i32
    %add3A_263 = arith.addi %add3A_261, %add3A_262 : i32
    %dma_start3A_264 = arith.constant 600 : i32
    %dma_start3A_265 = tpu.memref_slice %arg5[%dma_start3A_264] : memref<800xi32, #tpu.memory_space<vmem>> -> memref<200xi32, #tpu.memory_space<vmem>>
    %dma_start3A_266 = arith.constant 0 : i32
    %dma_start3A_267 = tpu.memref_slice %arg2[%add3A_263, %dma_start3A_266] : memref<16384x200xi32, #tpu.memory_space<hbm>> -> memref<1x200xi32, #tpu.memory_space<hbm>>
    %dma_start3A_268 = tpu.memref_squeeze %dma_start3A_267 : memref<1x200xi32, #tpu.memory_space<hbm>> -> memref<200xi32, #tpu.memory_space<hbm>>
    %dma_start3A_269 = arith.constant 600 : i32
    %dma_start3A_270 = tpu.memref_slice %arg5[%dma_start3A_269] : memref<800xi32, #tpu.memory_space<vmem>> -> memref<200xi32, #tpu.memory_space<vmem>>
    %dma_start3A_271 = arith.constant 0 : i32
    %dma_start3A_272 = tpu.memref_slice %arg2[%add3A_263, %dma_start3A_271] : memref<16384x200xi32, #tpu.memory_space<hbm>> -> memref<1x200xi32, #tpu.memory_space<hbm>>
    %dma_start3A_273 = tpu.memref_squeeze %dma_start3A_272 : memref<1x200xi32, #tpu.memory_space<hbm>> -> memref<200xi32, #tpu.memory_space<hbm>>
    tpu.enqueue_dma source(%dma_start3A_273 : memref<200xi32, #tpu.memory_space<hbm>>) target(%dma_start3A_270 : memref<200xi32, #tpu.memory_space<vmem>>) target_semaphore(%arg9 : memref<!tpu.dma_semaphore, #tpu.memory_space<semaphore_mem>>)
    %scan3A = arith.constant 0 : i32
    %scan3A_274 = arith.constant 1 : i32
    %scan3A_275 = arith.constant 63 : i32
    %scan3A_276 = arith.addi %scan3A_274, %scan3A_275 : i32
    %scan3A_277 = arith.constant 1 : i32
    scf.for %scan3A_340 = %scan3A_274 to %scan3A_276 step %scan3A_277  : i32 {
      %mul3A_341 = arith.constant 2 : i32
      %mul3A_342 = arith.muli %mul3A_341, %scan3A_340 : i32
      %dma_wait3A_343 = arith.constant 0 : i32
      %dma_wait3A_344 = arith.constant 0 : i32
      %dma_wait3A_345 = tpu.memref_slice %arg5[%dma_wait3A_344] : memref<800xi32, #tpu.memory_space<vmem>> -> memref<200xi32, #tpu.memory_space<vmem>>
      %dma_wait3A_346 = arith.constant 0 : i32
      %dma_wait3A_347 = tpu.memref_slice %arg2[%dma_wait3A_343, %dma_wait3A_346] : memref<16384x200xi32, #tpu.memory_space<hbm>> -> memref<1x200xi32, #tpu.memory_space<hbm>>
      %dma_wait3A_348 = tpu.memref_squeeze %dma_wait3A_347 : memref<1x200xi32, #tpu.memory_space<hbm>> -> memref<200xi32, #tpu.memory_space<hbm>>
      %dma_wait3A_349 = arith.constant 0 : i32
      %dma_wait3A_350 = tpu.memref_slice %arg5[%dma_wait3A_349] : memref<800xi32, #tpu.memory_space<vmem>> -> memref<200xi32, #tpu.memory_space<vmem>>
      %dma_wait3A_351 = arith.constant 0 : i32
      %dma_wait3A_352 = tpu.memref_slice %arg2[%dma_wait3A_343, %dma_wait3A_351] : memref<16384x200xi32, #tpu.memory_space<hbm>> -> memref<1x200xi32, #tpu.memory_space<hbm>>
      %dma_wait3A_353 = tpu.memref_squeeze %dma_wait3A_352 : memref<1x200xi32, #tpu.memory_space<hbm>> -> memref<200xi32, #tpu.memory_space<hbm>>
      tpu.wait_dma2 semaphore(%arg9 : memref<!tpu.dma_semaphore, #tpu.memory_space<semaphore_mem>>) src(%dma_wait3A_353 : memref<200xi32, #tpu.memory_space<hbm>>) dst(%dma_wait3A_350 : memref<200xi32, #tpu.memory_space<vmem>>)
      %dma_wait3A_354 = arith.constant 0 : i32
      %dma_wait3A_355 = arith.constant 200 : i32
      %dma_wait3A_356 = tpu.memref_slice %arg5[%dma_wait3A_355] : memref<800xi32, #tpu.memory_space<vmem>> -> memref<200xi32, #tpu.memory_space<vmem>>
      %dma_wait3A_357 = arith.constant 0 : i32
      %dma_wait3A_358 = tpu.memref_slice %arg2[%dma_wait3A_354, %dma_wait3A_357] : memref<16384x200xi32, #tpu.memory_space<hbm>> -> memref<1x200xi32, #tpu.memory_space<hbm>>
      %dma_wait3A_359 = tpu.memref_squeeze %dma_wait3A_358 : memref<1x200xi32, #tpu.memory_space<hbm>> -> memref<200xi32, #tpu.memory_space<hbm>>
      %dma_wait3A_360 = arith.constant 200 : i32
      %dma_wait3A_361 = tpu.memref_slice %arg5[%dma_wait3A_360] : memref<800xi32, #tpu.memory_space<vmem>> -> memref<200xi32, #tpu.memory_space<vmem>>
      %dma_wait3A_362 = arith.constant 0 : i32
      %dma_wait3A_363 = tpu.memref_slice %arg2[%dma_wait3A_354, %dma_wait3A_362] : memref<16384x200xi32, #tpu.memory_space<hbm>> -> memref<1x200xi32, #tpu.memory_space<hbm>>
      %dma_wait3A_364 = tpu.memref_squeeze %dma_wait3A_363 : memref<1x200xi32, #tpu.memory_space<hbm>> -> memref<200xi32, #tpu.memory_space<hbm>>
      tpu.wait_dma2 semaphore(%arg9 : memref<!tpu.dma_semaphore, #tpu.memory_space<semaphore_mem>>) src(%dma_wait3A_364 : memref<200xi32, #tpu.memory_space<hbm>>) dst(%dma_wait3A_361 : memref<200xi32, #tpu.memory_space<vmem>>)
      %dma_wait3A_365 = arith.constant 0 : i32
      %dma_wait3A_366 = arith.constant 400 : i32
      %dma_wait3A_367 = tpu.memref_slice %arg5[%dma_wait3A_366] : memref<800xi32, #tpu.memory_space<vmem>> -> memref<200xi32, #tpu.memory_space<vmem>>
      %dma_wait3A_368 = arith.constant 0 : i32
      %dma_wait3A_369 = tpu.memref_slice %arg2[%dma_wait3A_365, %dma_wait3A_368] : memref<16384x200xi32, #tpu.memory_space<hbm>> -> memref<1x200xi32, #tpu.memory_space<hbm>>
      %dma_wait3A_370 = tpu.memref_squeeze %dma_wait3A_369 : memref<1x200xi32, #tpu.memory_space<hbm>> -> memref<200xi32, #tpu.memory_space<hbm>>
      %dma_wait3A_371 = arith.constant 400 : i32
      %dma_wait3A_372 = tpu.memref_slice %arg5[%dma_wait3A_371] : memref<800xi32, #tpu.memory_space<vmem>> -> memref<200xi32, #tpu.memory_space<vmem>>
      %dma_wait3A_373 = arith.constant 0 : i32
      %dma_wait3A_374 = tpu.memref_slice %arg2[%dma_wait3A_365, %dma_wait3A_373] : memref<16384x200xi32, #tpu.memory_space<hbm>> -> memref<1x200xi32, #tpu.memory_space<hbm>>
      %dma_wait3A_375 = tpu.memref_squeeze %dma_wait3A_374 : memref<1x200xi32, #tpu.memory_space<hbm>> -> memref<200xi32, #tpu.memory_space<hbm>>
      tpu.wait_dma2 semaphore(%arg9 : memref<!tpu.dma_semaphore, #tpu.memory_space<semaphore_mem>>) src(%dma_wait3A_375 : memref<200xi32, #tpu.memory_space<hbm>>) dst(%dma_wait3A_372 : memref<200xi32, #tpu.memory_space<vmem>>)
      %dma_wait3A_376 = arith.constant 0 : i32
      %dma_wait3A_377 = arith.constant 600 : i32
      %dma_wait3A_378 = tpu.memref_slice %arg5[%dma_wait3A_377] : memref<800xi32, #tpu.memory_space<vmem>> -> memref<200xi32, #tpu.memory_space<vmem>>
      %dma_wait3A_379 = arith.constant 0 : i32
      %dma_wait3A_380 = tpu.memref_slice %arg2[%dma_wait3A_376, %dma_wait3A_379] : memref<16384x200xi32, #tpu.memory_space<hbm>> -> memref<1x200xi32, #tpu.memory_space<hbm>>
      %dma_wait3A_381 = tpu.memref_squeeze %dma_wait3A_380 : memref<1x200xi32, #tpu.memory_space<hbm>> -> memref<200xi32, #tpu.memory_space<hbm>>
      %dma_wait3A_382 = arith.constant 600 : i32
      %dma_wait3A_383 = tpu.memref_slice %arg5[%dma_wait3A_382] : memref<800xi32, #tpu.memory_space<vmem>> -> memref<200xi32, #tpu.memory_space<vmem>>
      %dma_wait3A_384 = arith.constant 0 : i32
      %dma_wait3A_385 = tpu.memref_slice %arg2[%dma_wait3A_376, %dma_wait3A_384] : memref<16384x200xi32, #tpu.memory_space<hbm>> -> memref<1x200xi32, #tpu.memory_space<hbm>>
      %dma_wait3A_386 = tpu.memref_squeeze %dma_wait3A_385 : memref<1x200xi32, #tpu.memory_space<hbm>> -> memref<200xi32, #tpu.memory_space<hbm>>
      tpu.wait_dma2 semaphore(%arg9 : memref<!tpu.dma_semaphore, #tpu.memory_space<semaphore_mem>>) src(%dma_wait3A_386 : memref<200xi32, #tpu.memory_space<hbm>>) dst(%dma_wait3A_383 : memref<200xi32, #tpu.memory_space<vmem>>)
      %dma_wait3A_387 = arith.constant 0 : i32
      %dma_wait3A_388 = tpu.memref_slice %arg4[%mul3A_4, %dma_wait3A_387] : memref<3276800x128xf32, #tpu.memory_space<hbm>> -> memref<800x64xf32, #tpu.memory_space<hbm>>
      %dma_wait3A_389 = arith.constant 0 : i32
      %dma_wait3A_390 = tpu.memref_slice %arg4[%mul3A_4, %dma_wait3A_389] : memref<3276800x128xf32, #tpu.memory_space<hbm>> -> memref<800x64xf32, #tpu.memory_space<hbm>>
      tpu.wait_dma2 semaphore(%arg13 : memref<!tpu.dma_semaphore, #tpu.memory_space<semaphore_mem>>) src(%arg7 : memref<800x64xf32, #tpu.memory_space<vmem>>) dst(%dma_wait3A_390 : memref<800x64xf32, #tpu.memory_space<hbm>>)
      %dma_start3A_391 = arith.constant 0 : i32
      %dma_start3A_392 = arith.constant 0 : i32
      %dma_start3A_393 = tpu.memref_slice %arg3[%dma_start3A_391, %dma_start3A_392] : memref<1000000x64xf32, #tpu.memory_space<hbm>> -> memref<1000000x64xf32, #tpu.memory_space<hbm>>
      tpu.enqueue_indirect_dma source(%dma_start3A_393 : memref<1000000x64xf32, #tpu.memory_space<hbm>>) target(%arg7 : memref<800x64xf32, #tpu.memory_space<vmem>>) offsets(%arg5 : memref<800xi32, #tpu.memory_space<vmem>>) semaphore(%arg11 : memref<!tpu.dma_semaphore, #tpu.memory_space<semaphore_mem>>)
      %dma_wait3A_394 = arith.constant 0 : i32
      %dma_wait3A_395 = arith.constant 0 : i32
      %dma_wait3A_396 = tpu.memref_slice %arg3[%dma_wait3A_394, %dma_wait3A_395] : memref<1000000x64xf32, #tpu.memory_space<hbm>> -> memref<1000000x64xf32, #tpu.memory_space<hbm>>
      tpu.wait_indirect_dma semaphore(%arg12 : memref<!tpu.dma_semaphore, #tpu.memory_space<semaphore_mem>>) src(%dma_wait3A_396 : memref<1000000x64xf32, #tpu.memory_space<hbm>>) dst(%arg8 : memref<800x64xf32, #tpu.memory_space<vmem>>)
      %sub3A = arith.constant 1 : i32
      %sub3A_397 = arith.subi %mul3A_342, %sub3A : i32
      %mul3A_398 = arith.constant 800 : i32
      %mul3A_399 = arith.muli %sub3A_397, %mul3A_398 : i32
      %add3A_400 = arith.addi %mul3A_4, %mul3A_399 : i32
      %dma_start3A_401 = arith.constant 0 : i32
      %dma_start3A_402 = tpu.memref_slice %arg4[%add3A_400, %dma_start3A_401] : memref<3276800x128xf32, #tpu.memory_space<hbm>> -> memref<800x64xf32, #tpu.memory_space<hbm>>
      %dma_start3A_403 = arith.constant 0 : i32
      %dma_start3A_404 = tpu.memref_slice %arg4[%add3A_400, %dma_start3A_403] : memref<3276800x128xf32, #tpu.memory_space<hbm>> -> memref<800x64xf32, #tpu.memory_space<hbm>>
      tpu.enqueue_dma source(%arg8 : memref<800x64xf32, #tpu.memory_space<vmem>>) target(%dma_start3A_404 : memref<800x64xf32, #tpu.memory_space<hbm>>) target_semaphore(%arg14 : memref<!tpu.dma_semaphore, #tpu.memory_space<semaphore_mem>>)
      %add3A_405 = arith.constant 1 : i32
      %add3A_406 = arith.addi %mul3A_342, %add3A_405 : i32
      %mul3A_407 = arith.constant 4 : i32
      %mul3A_408 = arith.muli %add3A_406, %mul3A_407 : i32
      %add3A_409 = arith.addi %mul3A_2, %mul3A_408 : i32
      %add3A_410 = arith.constant 0 : i32
      %add3A_411 = arith.addi %add3A_409, %add3A_410 : i32
      %dma_start3A_412 = arith.constant 0 : i32
      %dma_start3A_413 = tpu.memref_slice %arg6[%dma_start3A_412] : memref<800xi32, #tpu.memory_space<vmem>> -> memref<200xi32, #tpu.memory_space<vmem>>
      %dma_start3A_414 = arith.constant 0 : i32
      %dma_start3A_415 = tpu.memref_slice %arg2[%add3A_411, %dma_start3A_414] : memref<16384x200xi32, #tpu.memory_space<hbm>> -> memref<1x200xi32, #tpu.memory_space<hbm>>
      %dma_start3A_416 = tpu.memref_squeeze %dma_start3A_415 : memref<1x200xi32, #tpu.memory_space<hbm>> -> memref<200xi32, #tpu.memory_space<hbm>>
      %dma_start3A_417 = arith.constant 0 : i32
      %dma_start3A_418 = tpu.memref_slice %arg6[%dma_start3A_417] : memref<800xi32, #tpu.memory_space<vmem>> -> memref<200xi32, #tpu.memory_space<vmem>>
      %dma_start3A_419 = arith.constant 0 : i32
      %dma_start3A_420 = tpu.memref_slice %arg2[%add3A_411, %dma_start3A_419] : memref<16384x200xi32, #tpu.memory_space<hbm>> -> memref<1x200xi32, #tpu.memory_space<hbm>>
      %dma_start3A_421 = tpu.memref_squeeze %dma_start3A_420 : memref<1x200xi32, #tpu.memory_space<hbm>> -> memref<200xi32, #tpu.memory_space<hbm>>
      tpu.enqueue_dma source(%dma_start3A_421 : memref<200xi32, #tpu.memory_space<hbm>>) target(%dma_start3A_418 : memref<200xi32, #tpu.memory_space<vmem>>) target_semaphore(%arg10 : memref<!tpu.dma_semaphore, #tpu.memory_space<semaphore_mem>>)
      %mul3A_422 = arith.constant 4 : i32
      %mul3A_423 = arith.muli %add3A_406, %mul3A_422 : i32
      %add3A_424 = arith.addi %mul3A_2, %mul3A_423 : i32
      %add3A_425 = arith.constant 1 : i32
      %add3A_426 = arith.addi %add3A_424, %add3A_425 : i32
      %dma_start3A_427 = arith.constant 200 : i32
      %dma_start3A_428 = tpu.memref_slice %arg6[%dma_start3A_427] : memref<800xi32, #tpu.memory_space<vmem>> -> memref<200xi32, #tpu.memory_space<vmem>>
      %dma_start3A_429 = arith.constant 0 : i32
      %dma_start3A_430 = tpu.memref_slice %arg2[%add3A_426, %dma_start3A_429] : memref<16384x200xi32, #tpu.memory_space<hbm>> -> memref<1x200xi32, #tpu.memory_space<hbm>>
      %dma_start3A_431 = tpu.memref_squeeze %dma_start3A_430 : memref<1x200xi32, #tpu.memory_space<hbm>> -> memref<200xi32, #tpu.memory_space<hbm>>
      %dma_start3A_432 = arith.constant 200 : i32
      %dma_start3A_433 = tpu.memref_slice %arg6[%dma_start3A_432] : memref<800xi32, #tpu.memory_space<vmem>> -> memref<200xi32, #tpu.memory_space<vmem>>
      %dma_start3A_434 = arith.constant 0 : i32
      %dma_start3A_435 = tpu.memref_slice %arg2[%add3A_426, %dma_start3A_434] : memref<16384x200xi32, #tpu.memory_space<hbm>> -> memref<1x200xi32, #tpu.memory_space<hbm>>
      %dma_start3A_436 = tpu.memref_squeeze %dma_start3A_435 : memref<1x200xi32, #tpu.memory_space<hbm>> -> memref<200xi32, #tpu.memory_space<hbm>>
      tpu.enqueue_dma source(%dma_start3A_436 : memref<200xi32, #tpu.memory_space<hbm>>) target(%dma_start3A_433 : memref<200xi32, #tpu.memory_space<vmem>>) target_semaphore(%arg10 : memref<!tpu.dma_semaphore, #tpu.memory_space<semaphore_mem>>)
      %mul3A_437 = arith.constant 4 : i32
      %mul3A_438 = arith.muli %add3A_406, %mul3A_437 : i32
      %add3A_439 = arith.addi %mul3A_2, %mul3A_438 : i32
      %add3A_440 = arith.constant 2 : i32
      %add3A_441 = arith.addi %add3A_439, %add3A_440 : i32
      %dma_start3A_442 = arith.constant 400 : i32
      %dma_start3A_443 = tpu.memref_slice %arg6[%dma_start3A_442] : memref<800xi32, #tpu.memory_space<vmem>> -> memref<200xi32, #tpu.memory_space<vmem>>
      %dma_start3A_444 = arith.constant 0 : i32
      %dma_start3A_445 = tpu.memref_slice %arg2[%add3A_441, %dma_start3A_444] : memref<16384x200xi32, #tpu.memory_space<hbm>> -> memref<1x200xi32, #tpu.memory_space<hbm>>
      %dma_start3A_446 = tpu.memref_squeeze %dma_start3A_445 : memref<1x200xi32, #tpu.memory_space<hbm>> -> memref<200xi32, #tpu.memory_space<hbm>>
      %dma_start3A_447 = arith.constant 400 : i32
      %dma_start3A_448 = tpu.memref_slice %arg6[%dma_start3A_447] : memref<800xi32, #tpu.memory_space<vmem>> -> memref<200xi32, #tpu.memory_space<vmem>>
      %dma_start3A_449 = arith.constant 0 : i32
      %dma_start3A_450 = tpu.memref_slice %arg2[%add3A_441, %dma_start3A_449] : memref<16384x200xi32, #tpu.memory_space<hbm>> -> memref<1x200xi32, #tpu.memory_space<hbm>>
      %dma_start3A_451 = tpu.memref_squeeze %dma_start3A_450 : memref<1x200xi32, #tpu.memory_space<hbm>> -> memref<200xi32, #tpu.memory_space<hbm>>
      tpu.enqueue_dma source(%dma_start3A_451 : memref<200xi32, #tpu.memory_space<hbm>>) target(%dma_start3A_448 : memref<200xi32, #tpu.memory_space<vmem>>) target_semaphore(%arg10 : memref<!tpu.dma_semaphore, #tpu.memory_space<semaphore_mem>>)
      %mul3A_452 = arith.constant 4 : i32
      %mul3A_453 = arith.muli %add3A_406, %mul3A_452 : i32
      %add3A_454 = arith.addi %mul3A_2, %mul3A_453 : i32
      %add3A_455 = arith.constant 3 : i32
      %add3A_456 = arith.addi %add3A_454, %add3A_455 : i32
      %dma_start3A_457 = arith.constant 600 : i32
      %dma_start3A_458 = tpu.memref_slice %arg6[%dma_start3A_457] : memref<800xi32, #tpu.memory_space<vmem>> -> memref<200xi32, #tpu.memory_space<vmem>>
      %dma_start3A_459 = arith.constant 0 : i32
      %dma_start3A_460 = tpu.memref_slice %arg2[%add3A_456, %dma_start3A_459] : memref<16384x200xi32, #tpu.memory_space<hbm>> -> memref<1x200xi32, #tpu.memory_space<hbm>>
      %dma_start3A_461 = tpu.memref_squeeze %dma_start3A_460 : memref<1x200xi32, #tpu.memory_space<hbm>> -> memref<200xi32, #tpu.memory_space<hbm>>
      %dma_start3A_462 = arith.constant 600 : i32
      %dma_start3A_463 = tpu.memref_slice %arg6[%dma_start3A_462] : memref<800xi32, #tpu.memory_space<vmem>> -> memref<200xi32, #tpu.memory_space<vmem>>
      %dma_start3A_464 = arith.constant 0 : i32
      %dma_start3A_465 = tpu.memref_slice %arg2[%add3A_456, %dma_start3A_464] : memref<16384x200xi32, #tpu.memory_space<hbm>> -> memref<1x200xi32, #tpu.memory_space<hbm>>
      %dma_start3A_466 = tpu.memref_squeeze %dma_start3A_465 : memref<1x200xi32, #tpu.memory_space<hbm>> -> memref<200xi32, #tpu.memory_space<hbm>>
      tpu.enqueue_dma source(%dma_start3A_466 : memref<200xi32, #tpu.memory_space<hbm>>) target(%dma_start3A_463 : memref<200xi32, #tpu.memory_space<vmem>>) target_semaphore(%arg10 : memref<!tpu.dma_semaphore, #tpu.memory_space<semaphore_mem>>)
      %dma_wait3A_467 = arith.constant 0 : i32
      %dma_wait3A_468 = arith.constant 0 : i32
      %dma_wait3A_469 = tpu.memref_slice %arg6[%dma_wait3A_468] : memref<800xi32, #tpu.memory_space<vmem>> -> memref<200xi32, #tpu.memory_space<vmem>>
      %dma_wait3A_470 = arith.constant 0 : i32
      %dma_wait3A_471 = tpu.memref_slice %arg2[%dma_wait3A_467, %dma_wait3A_470] : memref<16384x200xi32, #tpu.memory_space<hbm>> -> memref<1x200xi32, #tpu.memory_space<hbm>>
      %dma_wait3A_472 = tpu.memref_squeeze %dma_wait3A_471 : memref<1x200xi32, #tpu.memory_space<hbm>> -> memref<200xi32, #tpu.memory_space<hbm>>
      %dma_wait3A_473 = arith.constant 0 : i32
      %dma_wait3A_474 = tpu.memref_slice %arg6[%dma_wait3A_473] : memref<800xi32, #tpu.memory_space<vmem>> -> memref<200xi32, #tpu.memory_space<vmem>>
      %dma_wait3A_475 = arith.constant 0 : i32
      %dma_wait3A_476 = tpu.memref_slice %arg2[%dma_wait3A_467, %dma_wait3A_475] : memref<16384x200xi32, #tpu.memory_space<hbm>> -> memref<1x200xi32, #tpu.memory_space<hbm>>
      %dma_wait3A_477 = tpu.memref_squeeze %dma_wait3A_476 : memref<1x200xi32, #tpu.memory_space<hbm>> -> memref<200xi32, #tpu.memory_space<hbm>>
      tpu.wait_dma2 semaphore(%arg10 : memref<!tpu.dma_semaphore, #tpu.memory_space<semaphore_mem>>) src(%dma_wait3A_477 : memref<200xi32, #tpu.memory_space<hbm>>) dst(%dma_wait3A_474 : memref<200xi32, #tpu.memory_space<vmem>>)
      %dma_wait3A_478 = arith.constant 0 : i32
      %dma_wait3A_479 = arith.constant 200 : i32
      %dma_wait3A_480 = tpu.memref_slice %arg6[%dma_wait3A_479] : memref<800xi32, #tpu.memory_space<vmem>> -> memref<200xi32, #tpu.memory_space<vmem>>
      %dma_wait3A_481 = arith.constant 0 : i32
      %dma_wait3A_482 = tpu.memref_slice %arg2[%dma_wait3A_478, %dma_wait3A_481] : memref<16384x200xi32, #tpu.memory_space<hbm>> -> memref<1x200xi32, #tpu.memory_space<hbm>>
      %dma_wait3A_483 = tpu.memref_squeeze %dma_wait3A_482 : memref<1x200xi32, #tpu.memory_space<hbm>> -> memref<200xi32, #tpu.memory_space<hbm>>
      %dma_wait3A_484 = arith.constant 200 : i32
      %dma_wait3A_485 = tpu.memref_slice %arg6[%dma_wait3A_484] : memref<800xi32, #tpu.memory_space<vmem>> -> memref<200xi32, #tpu.memory_space<vmem>>
      %dma_wait3A_486 = arith.constant 0 : i32
      %dma_wait3A_487 = tpu.memref_slice %arg2[%dma_wait3A_478, %dma_wait3A_486] : memref<16384x200xi32, #tpu.memory_space<hbm>> -> memref<1x200xi32, #tpu.memory_space<hbm>>
      %dma_wait3A_488 = tpu.memref_squeeze %dma_wait3A_487 : memref<1x200xi32, #tpu.memory_space<hbm>> -> memref<200xi32, #tpu.memory_space<hbm>>
      tpu.wait_dma2 semaphore(%arg10 : memref<!tpu.dma_semaphore, #tpu.memory_space<semaphore_mem>>) src(%dma_wait3A_488 : memref<200xi32, #tpu.memory_space<hbm>>) dst(%dma_wait3A_485 : memref<200xi32, #tpu.memory_space<vmem>>)
      %dma_wait3A_489 = arith.constant 0 : i32
      %dma_wait3A_490 = arith.constant 400 : i32
      %dma_wait3A_491 = tpu.memref_slice %arg6[%dma_wait3A_490] : memref<800xi32, #tpu.memory_space<vmem>> -> memref<200xi32, #tpu.memory_space<vmem>>
      %dma_wait3A_492 = arith.constant 0 : i32
      %dma_wait3A_493 = tpu.memref_slice %arg2[%dma_wait3A_489, %dma_wait3A_492] : memref<16384x200xi32, #tpu.memory_space<hbm>> -> memref<1x200xi32, #tpu.memory_space<hbm>>
      %dma_wait3A_494 = tpu.memref_squeeze %dma_wait3A_493 : memref<1x200xi32, #tpu.memory_space<hbm>> -> memref<200xi32, #tpu.memory_space<hbm>>
      %dma_wait3A_495 = arith.constant 400 : i32
      %dma_wait3A_496 = tpu.memref_slice %arg6[%dma_wait3A_495] : memref<800xi32, #tpu.memory_space<vmem>> -> memref<200xi32, #tpu.memory_space<vmem>>
      %dma_wait3A_497 = arith.constant 0 : i32
      %dma_wait3A_498 = tpu.memref_slice %arg2[%dma_wait3A_489, %dma_wait3A_497] : memref<16384x200xi32, #tpu.memory_space<hbm>> -> memref<1x200xi32, #tpu.memory_space<hbm>>
      %dma_wait3A_499 = tpu.memref_squeeze %dma_wait3A_498 : memref<1x200xi32, #tpu.memory_space<hbm>> -> memref<200xi32, #tpu.memory_space<hbm>>
      tpu.wait_dma2 semaphore(%arg10 : memref<!tpu.dma_semaphore, #tpu.memory_space<semaphore_mem>>) src(%dma_wait3A_499 : memref<200xi32, #tpu.memory_space<hbm>>) dst(%dma_wait3A_496 : memref<200xi32, #tpu.memory_space<vmem>>)
      %dma_wait3A_500 = arith.constant 0 : i32
      %dma_wait3A_501 = arith.constant 600 : i32
      %dma_wait3A_502 = tpu.memref_slice %arg6[%dma_wait3A_501] : memref<800xi32, #tpu.memory_space<vmem>> -> memref<200xi32, #tpu.memory_space<vmem>>
      %dma_wait3A_503 = arith.constant 0 : i32
      %dma_wait3A_504 = tpu.memref_slice %arg2[%dma_wait3A_500, %dma_wait3A_503] : memref<16384x200xi32, #tpu.memory_space<hbm>> -> memref<1x200xi32, #tpu.memory_space<hbm>>
      %dma_wait3A_505 = tpu.memref_squeeze %dma_wait3A_504 : memref<1x200xi32, #tpu.memory_space<hbm>> -> memref<200xi32, #tpu.memory_space<hbm>>
      %dma_wait3A_506 = arith.constant 600 : i32
      %dma_wait3A_507 = tpu.memref_slice %arg6[%dma_wait3A_506] : memref<800xi32, #tpu.memory_space<vmem>> -> memref<200xi32, #tpu.memory_space<vmem>>
      %dma_wait3A_508 = arith.constant 0 : i32
      %dma_wait3A_509 = tpu.memref_slice %arg2[%dma_wait3A_500, %dma_wait3A_508] : memref<16384x200xi32, #tpu.memory_space<hbm>> -> memref<1x200xi32, #tpu.memory_space<hbm>>
      %dma_wait3A_510 = tpu.memref_squeeze %dma_wait3A_509 : memref<1x200xi32, #tpu.memory_space<hbm>> -> memref<200xi32, #tpu.memory_space<hbm>>
      tpu.wait_dma2 semaphore(%arg10 : memref<!tpu.dma_semaphore, #tpu.memory_space<semaphore_mem>>) src(%dma_wait3A_510 : memref<200xi32, #tpu.memory_space<hbm>>) dst(%dma_wait3A_507 : memref<200xi32, #tpu.memory_space<vmem>>)
      %dma_wait3A_511 = arith.constant 0 : i32
      %dma_wait3A_512 = tpu.memref_slice %arg4[%mul3A_4, %dma_wait3A_511] : memref<3276800x128xf32, #tpu.memory_space<hbm>> -> memref<800x64xf32, #tpu.memory_space<hbm>>
      %dma_wait3A_513 = arith.constant 0 : i32
      %dma_wait3A_514 = tpu.memref_slice %arg4[%mul3A_4, %dma_wait3A_513] : memref<3276800x128xf32, #tpu.memory_space<hbm>> -> memref<800x64xf32, #tpu.memory_space<hbm>>
      tpu.wait_dma2 semaphore(%arg14 : memref<!tpu.dma_semaphore, #tpu.memory_space<semaphore_mem>>) src(%arg8 : memref<800x64xf32, #tpu.memory_space<vmem>>) dst(%dma_wait3A_514 : memref<800x64xf32, #tpu.memory_space<hbm>>)
      %dma_start3A_515 = arith.constant 0 : i32
      %dma_start3A_516 = arith.constant 0 : i32
      %dma_start3A_517 = tpu.memref_slice %arg3[%dma_start3A_515, %dma_start3A_516] : memref<1000000x64xf32, #tpu.memory_space<hbm>> -> memref<1000000x64xf32, #tpu.memory_space<hbm>>
      tpu.enqueue_indirect_dma source(%dma_start3A_517 : memref<1000000x64xf32, #tpu.memory_space<hbm>>) target(%arg8 : memref<800x64xf32, #tpu.memory_space<vmem>>) offsets(%arg6 : memref<800xi32, #tpu.memory_space<vmem>>) semaphore(%arg12 : memref<!tpu.dma_semaphore, #tpu.memory_space<semaphore_mem>>)
      %dma_wait3A_518 = arith.constant 0 : i32
      %dma_wait3A_519 = arith.constant 0 : i32
      %dma_wait3A_520 = tpu.memref_slice %arg3[%dma_wait3A_518, %dma_wait3A_519] : memref<1000000x64xf32, #tpu.memory_space<hbm>> -> memref<1000000x64xf32, #tpu.memory_space<hbm>>
      tpu.wait_indirect_dma semaphore(%arg11 : memref<!tpu.dma_semaphore, #tpu.memory_space<semaphore_mem>>) src(%dma_wait3A_520 : memref<1000000x64xf32, #tpu.memory_space<hbm>>) dst(%arg7 : memref<800x64xf32, #tpu.memory_space<vmem>>)
      %mul3A_521 = arith.constant 800 : i32
      %mul3A_522 = arith.muli %mul3A_342, %mul3A_521 : i32
      %add3A_523 = arith.addi %mul3A_4, %mul3A_522 : i32
      %dma_start3A_524 = arith.constant 0 : i32
      %dma_start3A_525 = tpu.memref_slice %arg4[%add3A_523, %dma_start3A_524] : memref<3276800x128xf32, #tpu.memory_space<hbm>> -> memref<800x64xf32, #tpu.memory_space<hbm>>
      %dma_start3A_526 = arith.constant 0 : i32
      %dma_start3A_527 = tpu.memref_slice %arg4[%add3A_523, %dma_start3A_526] : memref<3276800x128xf32, #tpu.memory_space<hbm>> -> memref<800x64xf32, #tpu.memory_space<hbm>>
      tpu.enqueue_dma source(%arg7 : memref<800x64xf32, #tpu.memory_space<vmem>>) target(%dma_start3A_527 : memref<800x64xf32, #tpu.memory_space<hbm>>) target_semaphore(%arg13 : memref<!tpu.dma_semaphore, #tpu.memory_space<semaphore_mem>>)
      %add3A_528 = arith.constant 2 : i32
      %add3A_529 = arith.addi %mul3A_342, %add3A_528 : i32
      %min3A = arith.constant 127 : i32
      %min3A_530 = arith.minsi %add3A_529, %min3A : i32
      %mul3A_531 = arith.constant 4 : i32
      %mul3A_532 = arith.muli %min3A_530, %mul3A_531 : i32
      %add3A_533 = arith.addi %mul3A_2, %mul3A_532 : i32
      %add3A_534 = arith.constant 0 : i32
      %add3A_535 = arith.addi %add3A_533, %add3A_534 : i32
      %dma_start3A_536 = arith.constant 0 : i32
      %dma_start3A_537 = tpu.memref_slice %arg5[%dma_start3A_536] : memref<800xi32, #tpu.memory_space<vmem>> -> memref<200xi32, #tpu.memory_space<vmem>>
      %dma_start3A_538 = arith.constant 0 : i32
      %dma_start3A_539 = tpu.memref_slice %arg2[%add3A_535, %dma_start3A_538] : memref<16384x200xi32, #tpu.memory_space<hbm>> -> memref<1x200xi32, #tpu.memory_space<hbm>>
      %dma_start3A_540 = tpu.memref_squeeze %dma_start3A_539 : memref<1x200xi32, #tpu.memory_space<hbm>> -> memref<200xi32, #tpu.memory_space<hbm>>
      %dma_start3A_541 = arith.constant 0 : i32
      %dma_start3A_542 = tpu.memref_slice %arg5[%dma_start3A_541] : memref<800xi32, #tpu.memory_space<vmem>> -> memref<200xi32, #tpu.memory_space<vmem>>
      %dma_start3A_543 = arith.constant 0 : i32
      %dma_start3A_544 = tpu.memref_slice %arg2[%add3A_535, %dma_start3A_543] : memref<16384x200xi32, #tpu.memory_space<hbm>> -> memref<1x200xi32, #tpu.memory_space<hbm>>
      %dma_start3A_545 = tpu.memref_squeeze %dma_start3A_544 : memref<1x200xi32, #tpu.memory_space<hbm>> -> memref<200xi32, #tpu.memory_space<hbm>>
      tpu.enqueue_dma source(%dma_start3A_545 : memref<200xi32, #tpu.memory_space<hbm>>) target(%dma_start3A_542 : memref<200xi32, #tpu.memory_space<vmem>>) target_semaphore(%arg9 : memref<!tpu.dma_semaphore, #tpu.memory_space<semaphore_mem>>)
      %mul3A_546 = arith.constant 4 : i32
      %mul3A_547 = arith.muli %min3A_530, %mul3A_546 : i32
      %add3A_548 = arith.addi %mul3A_2, %mul3A_547 : i32
      %add3A_549 = arith.constant 1 : i32
      %add3A_550 = arith.addi %add3A_548, %add3A_549 : i32
      %dma_start3A_551 = arith.constant 200 : i32
      %dma_start3A_552 = tpu.memref_slice %arg5[%dma_start3A_551] : memref<800xi32, #tpu.memory_space<vmem>> -> memref<200xi32, #tpu.memory_space<vmem>>
      %dma_start3A_553 = arith.constant 0 : i32
      %dma_start3A_554 = tpu.memref_slice %arg2[%add3A_550, %dma_start3A_553] : memref<16384x200xi32, #tpu.memory_space<hbm>> -> memref<1x200xi32, #tpu.memory_space<hbm>>
      %dma_start3A_555 = tpu.memref_squeeze %dma_start3A_554 : memref<1x200xi32, #tpu.memory_space<hbm>> -> memref<200xi32, #tpu.memory_space<hbm>>
      %dma_start3A_556 = arith.constant 200 : i32
      %dma_start3A_557 = tpu.memref_slice %arg5[%dma_start3A_556] : memref<800xi32, #tpu.memory_space<vmem>> -> memref<200xi32, #tpu.memory_space<vmem>>
      %dma_start3A_558 = arith.constant 0 : i32
      %dma_start3A_559 = tpu.memref_slice %arg2[%add3A_550, %dma_start3A_558] : memref<16384x200xi32, #tpu.memory_space<hbm>> -> memref<1x200xi32, #tpu.memory_space<hbm>>
      %dma_start3A_560 = tpu.memref_squeeze %dma_start3A_559 : memref<1x200xi32, #tpu.memory_space<hbm>> -> memref<200xi32, #tpu.memory_space<hbm>>
      tpu.enqueue_dma source(%dma_start3A_560 : memref<200xi32, #tpu.memory_space<hbm>>) target(%dma_start3A_557 : memref<200xi32, #tpu.memory_space<vmem>>) target_semaphore(%arg9 : memref<!tpu.dma_semaphore, #tpu.memory_space<semaphore_mem>>)
      %mul3A_561 = arith.constant 4 : i32
      %mul3A_562 = arith.muli %min3A_530, %mul3A_561 : i32
      %add3A_563 = arith.addi %mul3A_2, %mul3A_562 : i32
      %add3A_564 = arith.constant 2 : i32
      %add3A_565 = arith.addi %add3A_563, %add3A_564 : i32
      %dma_start3A_566 = arith.constant 400 : i32
      %dma_start3A_567 = tpu.memref_slice %arg5[%dma_start3A_566] : memref<800xi32, #tpu.memory_space<vmem>> -> memref<200xi32, #tpu.memory_space<vmem>>
      %dma_start3A_568 = arith.constant 0 : i32
      %dma_start3A_569 = tpu.memref_slice %arg2[%add3A_565, %dma_start3A_568] : memref<16384x200xi32, #tpu.memory_space<hbm>> -> memref<1x200xi32, #tpu.memory_space<hbm>>
      %dma_start3A_570 = tpu.memref_squeeze %dma_start3A_569 : memref<1x200xi32, #tpu.memory_space<hbm>> -> memref<200xi32, #tpu.memory_space<hbm>>
      %dma_start3A_571 = arith.constant 400 : i32
      %dma_start3A_572 = tpu.memref_slice %arg5[%dma_start3A_571] : memref<800xi32, #tpu.memory_space<vmem>> -> memref<200xi32, #tpu.memory_space<vmem>>
      %dma_start3A_573 = arith.constant 0 : i32
      %dma_start3A_574 = tpu.memref_slice %arg2[%add3A_565, %dma_start3A_573] : memref<16384x200xi32, #tpu.memory_space<hbm>> -> memref<1x200xi32, #tpu.memory_space<hbm>>
      %dma_start3A_575 = tpu.memref_squeeze %dma_start3A_574 : memref<1x200xi32, #tpu.memory_space<hbm>> -> memref<200xi32, #tpu.memory_space<hbm>>
      tpu.enqueue_dma source(%dma_start3A_575 : memref<200xi32, #tpu.memory_space<hbm>>) target(%dma_start3A_572 : memref<200xi32, #tpu.memory_space<vmem>>) target_semaphore(%arg9 : memref<!tpu.dma_semaphore, #tpu.memory_space<semaphore_mem>>)
      %mul3A_576 = arith.constant 4 : i32
      %mul3A_577 = arith.muli %min3A_530, %mul3A_576 : i32
      %add3A_578 = arith.addi %mul3A_2, %mul3A_577 : i32
      %add3A_579 = arith.constant 3 : i32
      %add3A_580 = arith.addi %add3A_578, %add3A_579 : i32
      %dma_start3A_581 = arith.constant 600 : i32
      %dma_start3A_582 = tpu.memref_slice %arg5[%dma_start3A_581] : memref<800xi32, #tpu.memory_space<vmem>> -> memref<200xi32, #tpu.memory_space<vmem>>
      %dma_start3A_583 = arith.constant 0 : i32
      %dma_start3A_584 = tpu.memref_slice %arg2[%add3A_580, %dma_start3A_583] : memref<16384x200xi32, #tpu.memory_space<hbm>> -> memref<1x200xi32, #tpu.memory_space<hbm>>
      %dma_start3A_585 = tpu.memref_squeeze %dma_start3A_584 : memref<1x200xi32, #tpu.memory_space<hbm>> -> memref<200xi32, #tpu.memory_space<hbm>>
      %dma_start3A_586 = arith.constant 600 : i32
      %dma_start3A_587 = tpu.memref_slice %arg5[%dma_start3A_586] : memref<800xi32, #tpu.memory_space<vmem>> -> memref<200xi32, #tpu.memory_space<vmem>>
      %dma_start3A_588 = arith.constant 0 : i32
      %dma_start3A_589 = tpu.memref_slice %arg2[%add3A_580, %dma_start3A_588] : memref<16384x200xi32, #tpu.memory_space<hbm>> -> memref<1x200xi32, #tpu.memory_space<hbm>>
      %dma_start3A_590 = tpu.memref_squeeze %dma_start3A_589 : memref<1x200xi32, #tpu.memory_space<hbm>> -> memref<200xi32, #tpu.memory_space<hbm>>
      tpu.enqueue_dma source(%dma_start3A_590 : memref<200xi32, #tpu.memory_space<hbm>>) target(%dma_start3A_587 : memref<200xi32, #tpu.memory_space<vmem>>) target_semaphore(%arg9 : memref<!tpu.dma_semaphore, #tpu.memory_space<semaphore_mem>>)
    }
    %scan3A_278 = arith.constant 63 : i32
    %dma_wait3A_279 = arith.constant 0 : i32
    %dma_wait3A_280 = arith.constant 0 : i32
    %dma_wait3A_281 = tpu.memref_slice %arg3[%dma_wait3A_279, %dma_wait3A_280] : memref<1000000x64xf32, #tpu.memory_space<hbm>> -> memref<1000000x64xf32, #tpu.memory_space<hbm>>
    tpu.wait_indirect_dma semaphore(%arg12 : memref<!tpu.dma_semaphore, #tpu.memory_space<semaphore_mem>>) src(%dma_wait3A_281 : memref<1000000x64xf32, #tpu.memory_space<hbm>>) dst(%arg8 : memref<800x64xf32, #tpu.memory_space<vmem>>)
    %add3A_282 = arith.constant 101600 : i32
    %add3A_283 = arith.addi %mul3A_4, %add3A_282 : i32
    %dma_start3A_284 = arith.constant 0 : i32
    %dma_start3A_285 = tpu.memref_slice %arg4[%add3A_283, %dma_start3A_284] : memref<3276800x128xf32, #tpu.memory_space<hbm>> -> memref<800x64xf32, #tpu.memory_space<hbm>>
    %dma_start3A_286 = arith.constant 0 : i32
    %dma_start3A_287 = tpu.memref_slice %arg4[%add3A_283, %dma_start3A_286] : memref<3276800x128xf32, #tpu.memory_space<hbm>> -> memref<800x64xf32, #tpu.memory_space<hbm>>
    tpu.enqueue_dma source(%arg8 : memref<800x64xf32, #tpu.memory_space<vmem>>) target(%dma_start3A_287 : memref<800x64xf32, #tpu.memory_space<hbm>>) target_semaphore(%arg14 : memref<!tpu.dma_semaphore, #tpu.memory_space<semaphore_mem>>)
    %dma_wait3A_288 = arith.constant 0 : i32
    %dma_wait3A_289 = arith.constant 0 : i32
    %dma_wait3A_290 = tpu.memref_slice %arg5[%dma_wait3A_289] : memref<800xi32, #tpu.memory_space<vmem>> -> memref<200xi32, #tpu.memory_space<vmem>>
    %dma_wait3A_291 = arith.constant 0 : i32
    %dma_wait3A_292 = tpu.memref_slice %arg2[%dma_wait3A_288, %dma_wait3A_291] : memref<16384x200xi32, #tpu.memory_space<hbm>> -> memref<1x200xi32, #tpu.memory_space<hbm>>
    %dma_wait3A_293 = tpu.memref_squeeze %dma_wait3A_292 : memref<1x200xi32, #tpu.memory_space<hbm>> -> memref<200xi32, #tpu.memory_space<hbm>>
    %dma_wait3A_294 = arith.constant 0 : i32
    %dma_wait3A_295 = tpu.memref_slice %arg5[%dma_wait3A_294] : memref<800xi32, #tpu.memory_space<vmem>> -> memref<200xi32, #tpu.memory_space<vmem>>
    %dma_wait3A_296 = arith.constant 0 : i32
    %dma_wait3A_297 = tpu.memref_slice %arg2[%dma_wait3A_288, %dma_wait3A_296] : memref<16384x200xi32, #tpu.memory_space<hbm>> -> memref<1x200xi32, #tpu.memory_space<hbm>>
    %dma_wait3A_298 = tpu.memref_squeeze %dma_wait3A_297 : memref<1x200xi32, #tpu.memory_space<hbm>> -> memref<200xi32, #tpu.memory_space<hbm>>
    tpu.wait_dma2 semaphore(%arg9 : memref<!tpu.dma_semaphore, #tpu.memory_space<semaphore_mem>>) src(%dma_wait3A_298 : memref<200xi32, #tpu.memory_space<hbm>>) dst(%dma_wait3A_295 : memref<200xi32, #tpu.memory_space<vmem>>)
    %dma_wait3A_299 = arith.constant 0 : i32
    %dma_wait3A_300 = arith.constant 200 : i32
    %dma_wait3A_301 = tpu.memref_slice %arg5[%dma_wait3A_300] : memref<800xi32, #tpu.memory_space<vmem>> -> memref<200xi32, #tpu.memory_space<vmem>>
    %dma_wait3A_302 = arith.constant 0 : i32
    %dma_wait3A_303 = tpu.memref_slice %arg2[%dma_wait3A_299, %dma_wait3A_302] : memref<16384x200xi32, #tpu.memory_space<hbm>> -> memref<1x200xi32, #tpu.memory_space<hbm>>
    %dma_wait3A_304 = tpu.memref_squeeze %dma_wait3A_303 : memref<1x200xi32, #tpu.memory_space<hbm>> -> memref<200xi32, #tpu.memory_space<hbm>>
    %dma_wait3A_305 = arith.constant 200 : i32
    %dma_wait3A_306 = tpu.memref_slice %arg5[%dma_wait3A_305] : memref<800xi32, #tpu.memory_space<vmem>> -> memref<200xi32, #tpu.memory_space<vmem>>
    %dma_wait3A_307 = arith.constant 0 : i32
    %dma_wait3A_308 = tpu.memref_slice %arg2[%dma_wait3A_299, %dma_wait3A_307] : memref<16384x200xi32, #tpu.memory_space<hbm>> -> memref<1x200xi32, #tpu.memory_space<hbm>>
    %dma_wait3A_309 = tpu.memref_squeeze %dma_wait3A_308 : memref<1x200xi32, #tpu.memory_space<hbm>> -> memref<200xi32, #tpu.memory_space<hbm>>
    tpu.wait_dma2 semaphore(%arg9 : memref<!tpu.dma_semaphore, #tpu.memory_space<semaphore_mem>>) src(%dma_wait3A_309 : memref<200xi32, #tpu.memory_space<hbm>>) dst(%dma_wait3A_306 : memref<200xi32, #tpu.memory_space<vmem>>)
    %dma_wait3A_310 = arith.constant 0 : i32
    %dma_wait3A_311 = arith.constant 400 : i32
    %dma_wait3A_312 = tpu.memref_slice %arg5[%dma_wait3A_311] : memref<800xi32, #tpu.memory_space<vmem>> -> memref<200xi32, #tpu.memory_space<vmem>>
    %dma_wait3A_313 = arith.constant 0 : i32
    %dma_wait3A_314 = tpu.memref_slice %arg2[%dma_wait3A_310, %dma_wait3A_313] : memref<16384x200xi32, #tpu.memory_space<hbm>> -> memref<1x200xi32, #tpu.memory_space<hbm>>
    %dma_wait3A_315 = tpu.memref_squeeze %dma_wait3A_314 : memref<1x200xi32, #tpu.memory_space<hbm>> -> memref<200xi32, #tpu.memory_space<hbm>>
    %dma_wait3A_316 = arith.constant 400 : i32
    %dma_wait3A_317 = tpu.memref_slice %arg5[%dma_wait3A_316] : memref<800xi32, #tpu.memory_space<vmem>> -> memref<200xi32, #tpu.memory_space<vmem>>
    %dma_wait3A_318 = arith.constant 0 : i32
    %dma_wait3A_319 = tpu.memref_slice %arg2[%dma_wait3A_310, %dma_wait3A_318] : memref<16384x200xi32, #tpu.memory_space<hbm>> -> memref<1x200xi32, #tpu.memory_space<hbm>>
    %dma_wait3A_320 = tpu.memref_squeeze %dma_wait3A_319 : memref<1x200xi32, #tpu.memory_space<hbm>> -> memref<200xi32, #tpu.memory_space<hbm>>
    tpu.wait_dma2 semaphore(%arg9 : memref<!tpu.dma_semaphore, #tpu.memory_space<semaphore_mem>>) src(%dma_wait3A_320 : memref<200xi32, #tpu.memory_space<hbm>>) dst(%dma_wait3A_317 : memref<200xi32, #tpu.memory_space<vmem>>)
    %dma_wait3A_321 = arith.constant 0 : i32
    %dma_wait3A_322 = arith.constant 600 : i32
    %dma_wait3A_323 = tpu.memref_slice %arg5[%dma_wait3A_322] : memref<800xi32, #tpu.memory_space<vmem>> -> memref<200xi32, #tpu.memory_space<vmem>>
    %dma_wait3A_324 = arith.constant 0 : i32
    %dma_wait3A_325 = tpu.memref_slice %arg2[%dma_wait3A_321, %dma_wait3A_324] : memref<16384x200xi32, #tpu.memory_space<hbm>> -> memref<1x200xi32, #tpu.memory_space<hbm>>
    %dma_wait3A_326 = tpu.memref_squeeze %dma_wait3A_325 : memref<1x200xi32, #tpu.memory_space<hbm>> -> memref<200xi32, #tpu.memory_space<hbm>>
    %dma_wait3A_327 = arith.constant 600 : i32
    %dma_wait3A_328 = tpu.memref_slice %arg5[%dma_wait3A_327] : memref<800xi32, #tpu.memory_space<vmem>> -> memref<200xi32, #tpu.memory_space<vmem>>
    %dma_wait3A_329 = arith.constant 0 : i32
    %dma_wait3A_330 = tpu.memref_slice %arg2[%dma_wait3A_321, %dma_wait3A_329] : memref<16384x200xi32, #tpu.memory_space<hbm>> -> memref<1x200xi32, #tpu.memory_space<hbm>>
    %dma_wait3A_331 = tpu.memref_squeeze %dma_wait3A_330 : memref<1x200xi32, #tpu.memory_space<hbm>> -> memref<200xi32, #tpu.memory_space<hbm>>
    tpu.wait_dma2 semaphore(%arg9 : memref<!tpu.dma_semaphore, #tpu.memory_space<semaphore_mem>>) src(%dma_wait3A_331 : memref<200xi32, #tpu.memory_space<hbm>>) dst(%dma_wait3A_328 : memref<200xi32, #tpu.memory_space<vmem>>)
    %dma_wait3A_332 = arith.constant 0 : i32
    %dma_wait3A_333 = tpu.memref_slice %arg4[%mul3A_4, %dma_wait3A_332] : memref<3276800x128xf32, #tpu.memory_space<hbm>> -> memref<800x64xf32, #tpu.memory_space<hbm>>
    %dma_wait3A_334 = arith.constant 0 : i32
    %dma_wait3A_335 = tpu.memref_slice %arg4[%mul3A_4, %dma_wait3A_334] : memref<3276800x128xf32, #tpu.memory_space<hbm>> -> memref<800x64xf32, #tpu.memory_space<hbm>>
    tpu.wait_dma2 semaphore(%arg13 : memref<!tpu.dma_semaphore, #tpu.memory_space<semaphore_mem>>) src(%arg7 : memref<800x64xf32, #tpu.memory_space<vmem>>) dst(%dma_wait3A_335 : memref<800x64xf32, #tpu.memory_space<hbm>>)
    %dma_wait3A_336 = arith.constant 0 : i32
    %dma_wait3A_337 = tpu.memref_slice %arg4[%mul3A_4, %dma_wait3A_336] : memref<3276800x128xf32, #tpu.memory_space<hbm>> -> memref<800x64xf32, #tpu.memory_space<hbm>>
    %dma_wait3A_338 = arith.constant 0 : i32
    %dma_wait3A_339 = tpu.memref_slice %arg4[%mul3A_4, %dma_wait3A_338] : memref<3276800x128xf32, #tpu.memory_space<hbm>> -> memref<800x64xf32, #tpu.memory_space<hbm>>
    tpu.wait_dma2 semaphore(%arg14 : memref<!tpu.dma_semaphore, #tpu.memory_space<semaphore_mem>>) src(%arg8 : memref<800x64xf32, #tpu.memory_space<vmem>>) dst(%dma_wait3A_339 : memref<800x64xf32, #tpu.memory_space<hbm>>)
    return
  }
}

</mosaic_0001>

<sc_bundles>
// kernel: _embed.3.cloned.1.call-start
scs
__scs_entry_jumppad:
0x0: {  	(pc) =	sbr.rel $0x88, $3  }
0x1: {  	(tag) =	ssettag $0x0;
	lr =	simm.s32 $0x1  }
0x2: {  	[smem:$0x3F9F] =	sst lr;
	_ =	strace $0xD0000000  }
0x3: {  	_ = 	snop  }
0x4: {  	_ = 	snop  }
0x5: {  	_ = 	snop  }
0x6: {  	_ = 	snop  }
0x7: {  	_ = 	snop  }
__scs_overlays_trampoline_lowered:
0x8: {  	[smem:$0x3FAE] =	sst s0  }
0x9: {  	[smem:$0x3FAF] =	sst s1  }
0xa: {  	[smem:$0x3FB0] =	sst s2  }
0xb: {  	[smem:$0x3FB1] =	sst s3  }
0xc: {  	[smem:$0x3FB2] =	sst s4  }
0xd: {  	[smem:$0x3FB3] =	sst s5  }
0xe: {  	[smem:$0x3FB4] =	sst s6  }
0xf: {  	[smem:$0x3FB5] =	sst s7  }
0x10: {  	[smem:$0x3FB6] =	sst s8  }
0x11: {  	[smem:$0x3FB7] =	sst s9;
	s0 =	simm.s32 @!p0 $0x0  }
0x12: {  	s1 =	sld [smem:$0x3F9D];
	s0 =	simm.s32 @p0 $0x1  }
0x13: {  	[smem:$0x3FB8] =	sst s0;
	s0 =	simm.s32 @!p1 $0x0  }
0x14: {  	s2 =	sld [smem:$0x3F9C];
	s0 =	simm.s32 @p1 $0x1  }
0x15: {  	[smem:$0x3FB9] =	sst s0;
	s0 =	simm.s32 @!p2 $0x0  }
0x16: {  	s3 =	sld [smem:$0x3FDB];
	s0 =	simm.s32 @p2 $0x1  }
0x17: {  	s4 =	simm.s32 $0x1BF5;
	[smem:$0x3FBB] =	sst s0  }
0x18: {  	s0 =	sld [smem:$0x3F9E];
	_ =	swait.ge [sflag:s4], $0x0  }
0x19: {  	s7 =	sld [smem:$0x3F9F]  }
0x1a: {  	s8 =	sadd.s32 $0xFFFFE003, lr  }
0x1b: {  	s9 =	sadd.s32 $0xFFFFFEF7, lr;
	s5 =	simm.s32 $0xFFFFFFFF;
	p2 =	slt.u32 s8, $0xFFFFF086  }
0x1c: {  	p1 =	slt.u32 s9, $0xF7A;
	s5 =	simm.s32 @!p2 $0x0  }
0x1d: {  	s5 =	simm.s32 @p1 $0x1;
	p0 =	seq.s32 s7, s2  }
0x1e: {  	s7 =	smul.u32 @!p0 $0xF7A, s2;
	p2 =	seq.s32 @!p0 s5, $0x0  }
0x1f: {  	s9 =	smul.u32 $0xF7A, s1;
	s8 =	simm.s32 @!p0 $0x1BF5;
	p2 =	por !p2, p0  }
0x20: {  	[sflag:s8] =	ssyncset.s32 @!p0 $0xFFFFF086;
	s6 =	sadd.s32 @!p0 s3, s7;
	s7 =	simm.s32 @!p0 $0x108  }
0x21: {  	s3 =	sadd.s32 s3, s9;
	s6 =	sadd.s32 @!p0 $0x88, s6;
	s7 =	simm.s32 @p2 $0x1082  }
0x22: {  	[simem:s7], [sflag:s8] =	dma.local @!p0 [hbm:s6], $0xF7A  }
0x23: {  	s9 =	sor.u32 $0xD0000000, s2;
	s6 =	simm.s32 $0x108;
	_ =	swait.ge @!p0 [sflag:s8], $0x0  }
0x24: {  	s3 =	sadd.s32 $0x88, s3;
	s6 =	simm.s32 @!p1 $0x1082;
	[sflag:s4] =	ssyncset.s32 $0xFFFFF086  }
0x25: {  	[simem:s6], [sflag:s4] =	dma.local [hbm:s3], $0xF7A  }
0x26: {  	[smem:$0x3F9F] =	sst s1;
	(tag) =	ssettag s2;
	_ =	strace s9  }
0x27: {  	s1 =	sld [smem:$0x3FAF]  }
0x28: {  	s2 =	sld [smem:$0x3FB0]  }
0x29: {  	s4 =	sld [smem:$0x3FB2]  }
0x2a: {  	p0 =	seq.s32 s5, $0x0;
	s5 =	sld [smem:$0x3FB3]  }
0x2b: {  	s6 =	sld [smem:$0x3FB4]  }
0x2c: {  	s7 =	sld [smem:$0x3FB5]  }
0x2d: {  	s3 =	simm.s32 $0x108;
	s8 =	sld [smem:$0x3FB6]  }
0x2e: {  	s3 =	simm.s32 @!p0 $0x1082;
	s9 =	sld [smem:$0x3FB7]  }
0x2f: {  	lr =	sadd.s32 s0, s3;
	s0 =	sld [smem:$0x3FAE]  }
0x30: {  	s3 =	sld [smem:$0x3FB1]  }
0x31: {  	[smem:$0x3FBA] =	sst s10  }
0x32: {  	s10 =	sld [smem:$0x3FB8];
	_ =	sdelay $0x3  }
0x33: {  	p0 =	seq.s32 s10, $0x1;
	s10 =	sld [smem:$0x3FBA];
	_ =	sdelay $0x3  }
0x34: {  	[smem:$0x3FBA] =	sst s10  }
0x35: {  	s10 =	sld [smem:$0x3FB9];
	_ =	sdelay $0x3  }
0x36: {  	p1 =	seq.s32 s10, $0x1;
	s10 =	sld [smem:$0x3FBA];
	_ =	sdelay $0x3  }
0x37: {  	[smem:$0x3FBA] =	sst s10  }
0x38: {  	s10 =	sld [smem:$0x3FBB]  }
0x39: {  	_ = 	snop;
	(pc) =	sbr.ind lr, $3  }
0x3a: {  	_ = 	snop  }
0x3b: {  	_ = 	snop  }
0x3c: {  	p2 =	seq.s32 s10, $0x1;
	s10 =	sld [smem:$0x3FBA]  }
0x3d: {  	_ =	shalt  }
0x3e: {  	_ =	shalt  }
0x3f: {  	_ =	shalt  }
0x40: {  	_ =	shalt  }
0x41: {  	_ =	shalt  }
0x42: {  	_ =	shalt  }
0x43: {  	_ =	shalt  }
0x44: {  	_ =	shalt  }
0x45: {  	_ =	shalt  }
0x46: {  	_ =	shalt  }
0x47: {  	_ =	shalt  }
0x48: {  	_ =	shalt  }
0x49: {  	_ =	shalt  }
0x4a: {  	_ =	shalt  }
0x4b: {  	_ =	shalt  }
0x4c: {  	_ =	shalt  }
0x4d: {  	_ =	shalt  }
0x4e: {  	_ =	shalt  }
0x4f: {  	_ =	shalt  }
0x50: {  	_ =	shalt  }
0x51: {  	_ =	shalt  }
0x52: {  	_ =	shalt  }
0x53: {  	_ =	shalt  }
0x54: {  	_ =	shalt  }
0x55: {  	_ =	shalt  }
0x56: {  	_ =	shalt  }
0x57: {  	_ =	shalt  }
0x58: {  	_ =	shalt  }
0x59: {  	_ =	shalt  }
0x5a: {  	_ =	shalt  }
0x5b: {  	_ =	shalt  }
0x5c: {  	_ =	shalt  }
0x5d: {  	_ =	shalt  }
0x5e: {  	_ =	shalt  }
0x5f: {  	_ =	shalt  }
0x60: {  	_ =	shalt  }
0x61: {  	_ =	shalt  }
0x62: {  	_ =	shalt  }
0x63: {  	_ =	shalt  }
0x64: {  	_ =	shalt  }
0x65: {  	_ =	shalt  }
0x66: {  	_ =	shalt  }
0x67: {  	_ =	shalt  }
0x68: {  	_ =	shalt  }
0x69: {  	_ =	shalt  }
0x6a: {  	_ =	shalt  }
0x6b: {  	_ =	shalt  }
0x6c: {  	_ =	shalt  }
0x6d: {  	_ =	shalt  }
0x6e: {  	_ =	shalt  }
0x6f: {  	_ =	shalt  }
0x70: {  	_ =	shalt  }
0x71: {  	_ =	shalt  }
0x72: {  	_ =	shalt  }
0x73: {  	_ =	shalt  }
0x74: {  	_ =	shalt  }
0x75: {  	_ =	shalt  }
0x76: {  	_ =	shalt  }
0x77: {  	_ =	shalt  }
0x78: {  	_ =	shalt  }
0x79: {  	_ =	shalt  }
0x7a: {  	_ =	shalt  }
0x7b: {  	_ =	shalt  }
0x7c: {  	_ =	shalt  }
0x7d: {  	_ =	shalt  }
0x7e: {  	_ =	shalt  }
0x7f: {  	_ =	shalt  }
0x80: {  	_ =	shalt  }
0x81: {  	_ =	shalt  }
0x82: {  	_ =	shalt  }
0x83: {  	_ =	shalt  }
0x84: {  	_ =	shalt  }
0x85: {  	_ =	shalt  }
0x86: {  	_ =	shalt  }
0x87: {  	_ =	shalt  }
.Lfunc_end0:
.L_simem_size_0:
called_computation_lowered:
.L_overlay_start_0:
0x88: {  	s2 =	sld [smem:$0x3FD9]  }
0x89: {  	s3 =	sld [smem:$0x3FFE];
	_ =	sdelay $0x1  }
0x8a: {  	s1 =	srdreg.scid  }
0x8b: {  	s0 =	sand.u32 $0x1, s1  }
0x8c: {  	s17 =	sshll.u32 s0, $0xA;
	s2 =	sadd.s32 s3, s2  }
0x8d: {  	s2 =	sadd.s32 s2, s17  }
0x8e: {  	[smem:$0x3FC6] =	sst s2  }
0x8f: {  	_ = 	snop  }
0x90: {  	s2 =	sld [smem:$0x3FD0];
	(tm) =	ssettm $0x1  }
0x91: {  	s18 =	sld [smem:$0x3FFB];
	_ =	sdelay $0x3  }
0x92: {  	_ =	strace s18  }
0x93: {  	s3 =	sld [smem:$0x3FFC];
	_ =	sdelay $0x3  }
0x94: {  	_ =	strace s3  }
0x95: {  	s3 =	sld [smem:$0x3FFD];
	_ =	sdelay $0x3  }
0x96: {  	_ =	strace s3  }
0x97: {  	_ =	strace $0x8FFFFFFF  }
0x98: {  	s19 =	sld [smem:$0x3FDB];
	_ =	sdelay $0x1  }
0x99: {  	s4 =	simm.s32 $_scs_section_size  }
0x9a: {  	s5 =	simm.s32 $_size__tile_overlayer_lowered;
	s6 =	simm.s32 $_tile_overlayer_lowered  }
0x9b: {  	s22 =	simm.s32 $0x1BFF;
	s21 =	sshll.u32 s6, $0x1;
	s3 =	sadd.s32 s4, s19  }
0x9c: {  	s7 =	simm.s32 $0x0;
	s20 =	sshll.u32 s5, $0x1;
	s5 =	sadd.s32 s21, s3  }
0x9d: {  	[timem:s7], [sflag:s22] =	dma.local [hbm:s5], s20  }
0x9e: {  	_ =	swait.ge [sflag:s22], s20  }
0x9f: {  	s4 =	ssub.s32 $0x0, s20;
	[sflag:s22] =	ssyncset.done $0x0  }
0xa0: {  	[sflag:s22] =	ssyncadd.s32 s4;
	_ =	sdelay $0x1  }
0xa1: {  	s23 =	simm.s32 $0x1B8B  }
0xa2: {  	_ =	swait.ge [sflag:s23], $0x1  }
0xa3: {  	[sflag:s23] =	ssyncset.done $0x0  }
0xa4: {  	s25 =	simm.s32 $0x1B8E;
	s24 =	sld [smem:$0x3FFE];
	[sflag:s23] =	ssyncadd.s32 $0xFFFFFFFF  }
0xa5: {  	s26 =	simm.s32 $execute0_lowered;
	[smem:$0x3FD2] =	sst s25  }
0xa6: {  	s5 =	sshll.u32 s26, $0x1;
	_ =	strace $0x80000046;
	[dreg:$0x1] =	wrdreg $0xFFFFFFFF  }
0xa7: {  	s28 =	simm.s32 $_size_execute0_lowered;
	s3 =	sadd.s32 s3, s5;
	[dreg:$0x0] =	wrdreg $0x0  }
0xa8: {  	s5 =	sshll.u32 s28, $0x1;
	[dreg:$0x2] =	wrdreg s3  }
0xa9: {  	[dreg:$0x3] =	wrdreg s5  }
0xaa: {  	[dreg:$0x4] =	wrdreg $0xC0  }
0xab: {  	_ =	task [dreg:s7], $0x5FFFF  }
0xac: {  	[dreg:$0x1] =	wrdreg $0xFFFFFFFF  }
0xad: {  	[dreg:$0x0] =	wrdreg $0x60  }
0xae: {  	[dreg:$0x2] =	wrdreg s24  }
0xaf: {  	[dreg:$0x3] =	wrdreg s2  }
0xb0: {  	[dreg:$0x4] =	wrdreg $0x9  }
0xb1: {  	_ =	task.clear_ibuf [dreg:s7], $0x5FFFF;
	_ =	strace $0x90000046  }
0xb2: {  	s29 =	simm.s32 $0x9;
	_ =	strace $0x80000048  }
0xb3: {  	_ =	swait.ge [sflag:s29], $0x1  }
0xb4: {  	[sflag:s29] =	ssyncadd.s32 $0xFFFFFFFF  }
0xb5: {  	_ =	strace $0x90000048  }
0xb6: {  	_ =	sfence  }
0xb7: {  	s30 =	sld [smem:$0x0];
	_ =	sdelay $0x2  }
0xb8: {  	s31 =	sshll.u32 s1, $0xD;
	s1 =	sshrl.u32 s1, $0x2  }
0xb9: {  	s3 =	sand.u32 $0x4000, s31;
	s1 =	sadd.s32 s1, s30  }
0xba: {  	s0 =	sor.u32 s3, s0;
	s1 =	sshll.u32 s1, $0x11  }
0xbb: {  	s0 =	sor.u32 s1, s0  }
0xbc: {  	s0 =	sadd.s32 $0x8F2B, s0  }
0xbd: {  	[sflag:s0] =	ssyncadd.remote.s32 $0x1  }
0xbe: {  	_ =	sfence.sel $0xFFFF  }
0xbf: {  	[dreg:$0x0] =	wrdreg $0xFFFFFFFF;
	(pc) =	sbr.abs _section_cstart, $3  }
0xc0: {  	[dreg:$0x1] =	wrdreg $0xFFFFFFFF  }
0xc1: {  	_ =	task.clear_ibuf [dreg:s7], $0x2FFFF;
	_ =	strace $0x9FFFFFFF  }
0xc2: {  	(tm) =	ssettm $0x7FFFFFFF  }
0xc3: {  	_ =	shalt  }
tec
execute0_lowered:
.L_overlay_start_1:
0x0: {  	(tag) =	ssettag $0x1  }
0x1: {  	s0 =	rddreg [dreg:$0x0]  }
0x2: {  	s1 =	rddreg [dreg:$0x1]  }
0x3: {  	s3 =	srdreg.scid;
	s10 =	stileid.u32;
	s2 =	simm.s32 $0x0  }
0x4: {  	s28 =	simm.s32 $0x4B0;
	s29 =	simm.s32 $0x578;
	s30 =	simm.s32 $0x1  }
0x5: {  	s6 =	sand.u32 $0x1, s3;
	s15 =	sshll.u32 s10, $0x1;
	[smem:$0x7FF] =	sst s2  }
0x6: {  	s3 =	sadd.s32 $0x400, s0;
	s4 =	sadd.s32 $0x64400, s0;
	s7 =	sor.u32 s6, s15  }
0x7: {  	s5 =	ssub.s32 $0x2, s6;
	s8 =	smul.u32 $0x3200, s7;
	s9 =	sshll.u32 s7, $0x9  }
0x8: {  	_ =	strace $0x80000047;
	s16 =	sshrl.u32 s5, $0x1;
	s9 =	sor.u32 $0x8, s9  }
0x9: {  	s0 =	ssub.s32 s5, s16;
	s17 =	sadd.s32 s3, s8;
	[dreg:$0x3] =	wrdreg s9  }
0xa: {  	s31 =	simm.s32 $0x640;
	s0 =	smax.u32 s0, $0x1;
	[dreg:$0x8] =	wrdreg s17  }
0xb: {  	s25 =	smul.u32 $0x6400, s10;
	s8 =	sadd.s32 $0x19, s17;
	[dreg:$0x16] =	wrdreg s0  }
0xc: {  	s10 =	smul.u32 $0x32000, s10;
	s18 =	sadd.s32 $0x32, s17;
	[dreg:$0x9] =	wrdreg s8  }
0xd: {  	s13 =	smul.u32 $0x19000, s6;
	s19 =	sadd.s32 $0x4B, s17;
	[dreg:$0xa] =	wrdreg s18  }
0xe: {  	s6 =	smul.u32 $0x3200, s6;
	s20 =	sadd.s32 $0x64, s17;
	[dreg:$0xb] =	wrdreg s19  }
0xf: {  	s22 =	smul.u32 $0x190000, s7;
	s21 =	sadd.s32 $0x7D, s17;
	[dreg:$0xc] =	wrdreg s20  }
0x10: {  	s7 =	smul.u32 $0xC80000, s7;
	s11 =	sadd.s32 $0x96, s17;
	[dreg:$0xd] =	wrdreg s21  }
0x11: {  	s14 =	sadd.s32 s13, s10;
	s23 =	sadd.s32 $0xAF, s17;
	[dreg:$0xe] =	wrdreg s11  }
0x12: {  	s10 =	simm.s32 $0x2;
	s24 =	sadd.s32 $0xC8, s17;
	[dreg:$0xf] =	wrdreg s23  }
0x13: {  	s7 =	sshrl.u32 s7, $0x3;
	s26 =	sadd.s32 $0xE1, s17;
	[dreg:$0x11] =	wrdreg s24  }
0x14: {  	s16 =	sor.u32 $0xBB8, s14;
	s12 =	sadd.s32 $0xFA, s17;
	[dreg:$0x12] =	wrdreg s26  }
0x15: {  	s9 =	simm.s32 $0x4;
	s5 =	sadd.s32 $0x113, s17;
	[dreg:$0x13] =	wrdreg s12  }
0x16: {  	s7 =	sadd.s32 s1, s7;
	s8 =	sadd.s32 s1, s22;
	[dreg:$0x14] =	wrdreg s5  }
0x17: {  	s15 =	sadd.s32 $0x18CE00, s7;
	s18 =	sshrl.u32 s16, $0x3;
	s20 =	sor.u32 $0xAF0, s14  }
0x18: {  	s22 =	sor.u32 $0xA28, s14;
	s23 =	sshll.u32 s14, $0x4;
	s7 =	simm.s32 $0x80  }
0x19: {  	s11 =	simm.s32 $0x6;
	s12 =	simm.s32 $0x0;
	[dreg:$0x10] =	wrdreg s8  }
0x1a: {  	s8 =	sadd.s32 s25, s3;
	[dreg:$0x15] =	wrdreg s15;
	s19 =	sadd.s32 s18, s3  }
0x1b: {  	s21 =	sshrl.u32 s20, $0x3;
	s1 =	sadd.s32 s23, s1;
	s23 =	simm.s32 $0x190  }
0x1c: {  	s6 =	sadd.s32 s6, s8;
	[dreg:$0x5] =	wrdreg s19;
	s0 =	sadd.s32 s21, s3  }
0x1d: {  	s25 =	sadd.s32 $0x3200, s1;
	s26 =	sadd.s32 $0x6400, s1;
	[dreg:$0x6] =	wrdreg s0  }
0x1e: {  	s1 =	simm.s32 $0x3;
	s8 =	simm.s32 $0x5;
	[dreg:$0x17] =	wrdreg s25  }
0x1f: {  	s17 =	sadd.s32 $0x12C, s6;
	s6 =	sshrl.u32 s22, $0x3;
	[dreg:$0x18] =	wrdreg s26  }
0x20: {  	s22 =	simm.s32 $0xC8;
	s25 =	simm.s32 $0x320;
	s26 =	simm.s32 $0x3E8  }
0x21: {  	s0 =	simm.s32 $0xCE40;
	[dreg:$0x4] =	wrdreg s17;
	s24 =	sadd.s32 s6, s3  }
0x22: {  	s6 =	simm.s32 $0x40;
	[dreg:$0x7] =	wrdreg s24;
	s24 =	simm.s32 $0x258  }
.LBB2_1:
0x23: {  	[dreg:$0x19] =	wrdreg s12  }
0x24: {  	s5 =	rddreg [dreg:$0x8]  }
0x25: {  	[tilespmem:s2], [sflag:$0x1] =	stream.linear.gather [hbm4b:s5+s2], $0xC8, $0x38;
	[tilespmem:$0x19640] =	vst v63  }
0x26: {  	s20 =	rddreg [dreg:$0x9]  }
0x27: {  	[tilespmem:s22], [sflag:$0x1] =	stream.linear.gather [hbm4b:s20+s2], $0xC8, $0x38;
	[tilespmem:$0x19640] =	vst v63  }
0x28: {  	s21 =	rddreg [dreg:$0xa]  }
0x29: {  	[tilespmem:s23], [sflag:$0x1] =	stream.linear.gather [hbm4b:s21+s2], $0xC8, $0x38;
	[tilespmem:$0x19640] =	vst v63  }
0x2a: {  	s12 =	rddreg [dreg:$0xb]  }
0x2b: {  	[tilespmem:s24], [sflag:$0x1] =	stream.linear.gather [hbm4b:s12+s2], $0xC8, $0x38;
	[tilespmem:$0x19640] =	vst v63  }
0x2c: {  	s13 =	rddreg [dreg:$0xc]  }
0x2d: {  	[tilespmem:s25], [sflag:$0x2] =	stream.linear.gather [hbm4b:s13+s2], $0xC8, $0x38;
	[tilespmem:$0x19640] =	vst v63  }
0x2e: {  	s14 =	rddreg [dreg:$0xd]  }
0x2f: {  	[tilespmem:s26], [sflag:$0x2] =	stream.linear.gather [hbm4b:s14+s2], $0xC8, $0x38;
	[tilespmem:$0x19640] =	vst v63  }
0x30: {  	s15 =	rddreg [dreg:$0xe]  }
0x31: {  	[tilespmem:s28], [sflag:$0x2] =	stream.linear.gather [hbm4b:s15+s2], $0xC8, $0x38;
	[tilespmem:$0x19640] =	vst v63  }
0x32: {  	s16 =	rddreg [dreg:$0xf]  }
0x33: {  	[tilespmem:s29], [sflag:$0x2] =	stream.linear.gather [hbm4b:s16+s2], $0xC8, $0x38;
	[tilespmem:$0x19640] =	vst v63  }
0x34: {  	_ =	swait.ge [sflag:s30], $0xC8  }
0x35: {  	[sflag:s30] =	ssyncset.done $0x0  }
0x36: {  	[sflag:s30] =	ssyncadd.s32 $0xFFFFFF38  }
0x37: {  	_ =	swait.ge [sflag:s30], $0xC8  }
0x38: {  	[sflag:s30] =	ssyncset.done $0x0  }
0x39: {  	[sflag:s30] =	ssyncadd.s32 $0xFFFFFF38  }
0x3a: {  	_ =	swait.ge [sflag:s30], $0xC8  }
0x3b: {  	[sflag:s30] =	ssyncset.done $0x0  }
0x3c: {  	[sflag:s30] =	ssyncadd.s32 $0xFFFFFF38  }
0x3d: {  	_ =	swait.ge [sflag:s30], $0xC8  }
0x3e: {  	[sflag:s30] =	ssyncset.done $0x0  }
0x3f: {  	[sflag:s30] =	ssyncadd.s32 $0xFFFFFF38  }
0x40: {  	[tilespmem:s31], [sflag:$0x3] =	stream.indirect.gather [hbm4b:s4+s25], $0x40, s2, s25, $0xb8;
	[tilespmem:$0x19640] =	vst v63  }
0x41: {  	_ =	swait.ge [sflag:s10], $0xC8  }
0x42: {  	[sflag:s10] =	ssyncset.done $0x0  }
0x43: {  	[sflag:s10] =	ssyncadd.s32 $0xFFFFFF38  }
0x44: {  	_ =	swait.ge [sflag:s10], $0xC8  }
0x45: {  	[sflag:s10] =	ssyncset.done $0x0  }
0x46: {  	[sflag:s10] =	ssyncadd.s32 $0xFFFFFF38  }
0x47: {  	_ =	swait.ge [sflag:s10], $0xC8  }
0x48: {  	[sflag:s10] =	ssyncset.done $0x0  }
0x49: {  	[sflag:s10] =	ssyncadd.s32 $0xFFFFFF38  }
0x4a: {  	_ =	swait.ge [sflag:s10], $0xC8  }
0x4b: {  	[sflag:s10] =	ssyncset.done $0x0  }
0x4c: {  	[sflag:s10] =	ssyncadd.s32 $0xFFFFFF38  }
0x4d: {  	[tilespmem:s0], [sflag:$0x4] =	stream.indirect.gather [hbm4b:s4+s25], $0x40, s25, s25, $0xb8;
	[tilespmem:$0x19640] =	vst v63  }
0x4e: {  	_ =	swait.ge [sflag:s1], $0xC800  }
0x4f: {  	[sflag:s1] =	ssyncset.done $0x0  }
0x50: {  	s17 =	rddreg [dreg:$0x10];
	[sflag:s1] =	ssyncadd.s32 $0xFFFF3800  }
0x51: {  	[hbm4b:s17+s6] =	stream.strided.scatter [tilespmem:s31], [sflag:$0x5], $0xC800, s7, s6, $0x38;
	[tilespmem:$0x19640] =	vst v63  }
0x52: {  	s18 =	rddreg [dreg:$0x11]  }
0x53: {  	[tilespmem:s2], [sflag:$0x1] =	stream.linear.gather [hbm4b:s18+s2], $0xC8, $0x38;
	[tilespmem:$0x19640] =	vst v63  }
0x54: {  	s19 =	rddreg [dreg:$0x12]  }
0x55: {  	[tilespmem:s22], [sflag:$0x1] =	stream.linear.gather [hbm4b:s19+s2], $0xC8, $0x38;
	[tilespmem:$0x19640] =	vst v63  }
0x56: {  	s20 =	rddreg [dreg:$0x13]  }
0x57: {  	[tilespmem:s23], [sflag:$0x1] =	stream.linear.gather [hbm4b:s20+s2], $0xC8, $0x38;
	[tilespmem:$0x19640] =	vst v63  }
0x58: {  	s21 =	rddreg [dreg:$0x14]  }
0x59: {  	[tilespmem:s24], [sflag:$0x1] =	stream.linear.gather [hbm4b:s21+s2], $0xC8, $0x38;
	[tilespmem:$0x19640] =	vst v63  }
0x5a: {  	_ =	swait.ge [sflag:s30], $0xC8  }
0x5b: {  	[sflag:s30] =	ssyncset.done $0x0  }
0x5c: {  	[sflag:s30] =	ssyncadd.s32 $0xFFFFFF38  }
0x5d: {  	_ =	swait.ge [sflag:s30], $0xC8  }
0x5e: {  	[sflag:s30] =	ssyncset.done $0x0  }
0x5f: {  	[sflag:s30] =	ssyncadd.s32 $0xFFFFFF38  }
0x60: {  	_ =	swait.ge [sflag:s30], $0xC8  }
0x61: {  	[sflag:s30] =	ssyncset.done $0x0  }
0x62: {  	[sflag:s30] =	ssyncadd.s32 $0xFFFFFF38  }
0x63: {  	s13 =	smin.u32 s10, $0x7D;
	s15 =	simm.s32 $0x0;
	_ =	swait.ge [sflag:s30], $0xC8  }
0x64: {  	s17 =	simm.s32 $0xC8;
	s19 =	simm.s32 $0x2;
	s21 =	rddreg [dreg:$0x18]  }
0x65: {  	[sflag:s30] =	ssyncset.done $0x0;
	s20 =	rddreg [dreg:$0x17];
	s14 =	smov.u32 s21  }
.LBB2_2:
0x66: {  	[sflag:s30] =	ssyncadd.s32 $0xFFFFFF38  }
0x67: {  	_ =	swait.ge [sflag:s8], $0xC800  }
0x68: {  	[sflag:s8] =	ssyncset.done $0x0  }
0x69: {  	[sflag:s8] =	ssyncadd.s32 $0xFFFF3800  }
0x6a: {  	[tilespmem:s31], [sflag:$0x3] =	stream.indirect.gather [hbm4b:s4+s25], $0x40, s2, s25, $0xb8;
	[tilespmem:$0x19640] =	vst v63  }
0x6b: {  	_ =	swait.ge [sflag:s9], $0xC800  }
0x6c: {  	[sflag:s9] =	ssyncset.done $0x0  }
0x6d: {  	s5 =	rddreg [dreg:$0x4];
	[sflag:s9] =	ssyncadd.s32 $0xFFFF3800  }
0x6e: {  	[hbm4b:s20+s6] =	stream.strided.scatter [tilespmem:s0], [sflag:$0x6], $0xC800, s7, s6, $0x38;
	[tilespmem:$0x19640] =	vst v63  }
0x6f: {  	s18 =	rddreg [dreg:$0x7];
	s5 =	sadd.s32 s15, s5  }
0x70: {  	[tilespmem:s25], [sflag:$0x2] =	stream.linear.gather [hbm4b:s5+s2], $0xC8, $0x38;
	[tilespmem:$0x19640] =	vst v63  }
0x71: {  	s12 =	rddreg [dreg:$0x6];
	s5 =	sadd.s32 s15, s18  }
0x72: {  	[tilespmem:s26], [sflag:$0x2] =	stream.linear.gather [hbm4b:s5+s2], $0xC8, $0x38;
	[tilespmem:$0x19640] =	vst v63  }
0x73: {  	s12 =	sadd.s32 s15, s12;
	s18 =	rddreg [dreg:$0x5]  }
0x74: {  	[tilespmem:s28], [sflag:$0x2] =	stream.linear.gather [hbm4b:s12+s2], $0xC8, $0x38;
	[tilespmem:$0x19640] =	vst v63  }
0x75: {  	s18 =	sadd.s32 s15, s18  }
0x76: {  	[tilespmem:s29], [sflag:$0x2] =	stream.linear.gather [hbm4b:s18+s2], $0xC8, $0x38;
	[tilespmem:$0x19640] =	vst v63  }
0x77: {  	_ =	swait.ge [sflag:s10], $0xC8  }
0x78: {  	[sflag:s10] =	ssyncset.done $0x0  }
0x79: {  	[sflag:s10] =	ssyncadd.s32 $0xFFFFFF38  }
0x7a: {  	_ =	swait.ge [sflag:s10], $0xC8  }
0x7b: {  	[sflag:s10] =	ssyncset.done $0x0  }
0x7c: {  	[sflag:s10] =	ssyncadd.s32 $0xFFFFFF38  }
0x7d: {  	_ =	swait.ge [sflag:s10], $0xC8  }
0x7e: {  	[sflag:s10] =	ssyncset.done $0x0  }
0x7f: {  	[sflag:s10] =	ssyncadd.s32 $0xFFFFFF38  }
0x80: {  	_ =	swait.ge [sflag:s10], $0xC8  }
0x81: {  	[sflag:s10] =	ssyncset.done $0x0  }
0x82: {  	[sflag:s10] =	ssyncadd.s32 $0xFFFFFF38  }
0x83: {  	_ =	swait.ge [sflag:s11], $0xC800  }
0x84: {  	[sflag:s11] =	ssyncset.done $0x0  }
0x85: {  	s16 =	smov.u32 s17;
	[sflag:s11] =	ssyncadd.s32 $0xFFFF3800  }
0x86: {  	[tilespmem:s0], [sflag:$0x4] =	stream.indirect.gather [hbm4b:s4+s25], $0x40, s25, s25, $0xb8;
	[tilespmem:$0x19640] =	vst v63  }
0x87: {  	s19 =	sadd.s32 $0x2, s19;
	s15 =	smov.u32 s16;
	_ =	swait.ge [sflag:s1], $0xC800  }
0x88: {  	s18 =	sshll.u32 s13, $0x2;
	[sflag:s1] =	ssyncset.done $0x0;
	s16 =	rddreg [dreg:$0x3]  }
0x89: {  	s12 =	smin.u32 s19, $0x7D;
	[sflag:s1] =	ssyncadd.s32 $0xFFFF3800;
	s16 =	sadd.s32 s18, s16  }
0x8a: {  	[hbm4b:s21+s6] =	stream.strided.scatter [tilespmem:s31], [sflag:$0x5], $0xC800, s7, s6, $0x38;
	[tilespmem:$0x19640] =	vst v63  }
0x8b: {  	s13 =	smov.u32 s12;
	s12 =	smul.u32 $0xC8, s16  }
0x8c: {  	s5 =	smul.u32 $0x19, s16  }
0x8d: {  	s16 =	sadd.s32 $0xC8, s12  }
0x8e: {  	s18 =	sshrl.u32 s12, $0x3;
	s5 =	sadd.s32 s3, s5;
	s16 =	sshrl.u32 s16, $0x3  }
0x8f: {  	[tilespmem:s2], [sflag:$0x1] =	stream.linear.gather [hbm4b:s5+s2], $0xC8, $0x38;
	[tilespmem:$0x19640] =	vst v63  }
0x90: {  	s12 =	sadd.s32 $0x258, s12;
	s18 =	sadd.s32 s3, s18;
	s5 =	sadd.s32 s3, s16  }
0x91: {  	[tilespmem:s22], [sflag:$0x1] =	stream.linear.gather [hbm4b:s5+s2], $0xC8, $0x38;
	[tilespmem:$0x19640] =	vst v63  }
0x92: {  	s12 =	sshrl.u32 s12, $0x3;
	s16 =	sadd.s32 $0x32, s18  }
0x93: {  	[tilespmem:s23], [sflag:$0x1] =	stream.linear.gather [hbm4b:s16+s2], $0xC8, $0x38;
	[tilespmem:$0x19640] =	vst v63  }
0x94: {  	s18 =	sadd.s32 s3, s12  }
0x95: {  	[tilespmem:s24], [sflag:$0x1] =	stream.linear.gather [hbm4b:s18+s2], $0xC8, $0x38;
	[tilespmem:$0x19640] =	vst v63  }
0x96: {  	_ =	swait.ge [sflag:s30], $0xC8  }
0x97: {  	[sflag:s30] =	ssyncset.done $0x0  }
0x98: {  	[sflag:s30] =	ssyncadd.s32 $0xFFFFFF38  }
0x99: {  	_ =	swait.ge [sflag:s30], $0xC8  }
0x9a: {  	[sflag:s30] =	ssyncset.done $0x0  }
0x9b: {  	p0 =	sne.s32 s17, $0x3070;
	[sflag:s30] =	ssyncadd.s32 $0xFFFFFF38  }
.Ltmp0:
0x9c: {  	_ =	swait.ge [sflag:s30], $0xC8;
	(pc) =	sbr.rel @p0 .LBB2_2-.Ltmp0, $4  }
0x9d: {  	[sflag:s30] =	ssyncset.done $0x0  }
0x9e: {  	[sflag:s30] =	ssyncadd.s32 $0xFFFFFF38  }
0x9f: {  	s17 =	sadd.s32 $0xC8, s17;
	s14 =	sadd.s32 $0x6400, s14;
	_ =	swait.ge [sflag:s30], $0xC8  }
0xa0: {  	s20 =	sadd.s32 $0x6400, s20;
	s21 =	smov.u32 s14;
	[sflag:s30] =	ssyncset.done $0x0  }
0xa1: {  	[sflag:s30] =	ssyncadd.s32 $0xFFFFFF38  }
0xa2: {  	_ =	swait.ge [sflag:s8], $0xC800  }
0xa3: {  	[sflag:s8] =	ssyncset.done $0x0  }
0xa4: {  	[sflag:s8] =	ssyncadd.s32 $0xFFFF3800  }
0xa5: {  	[tilespmem:s31], [sflag:$0x3] =	stream.indirect.gather [hbm4b:s4+s25], $0x40, s2, s25, $0xb8;
	[tilespmem:$0x19640] =	vst v63  }
0xa6: {  	_ =	swait.ge [sflag:s9], $0xC800  }
0xa7: {  	[sflag:s9] =	ssyncset.done $0x0  }
0xa8: {  	s5 =	rddreg [dreg:$0x4];
	[sflag:s9] =	ssyncadd.s32 $0xFFFF3800  }
0xa9: {  	[hbm4b:s20+s6] =	stream.strided.scatter [tilespmem:s0], [sflag:$0x6], $0xC800, s7, s6, $0x38;
	[tilespmem:$0x19640] =	vst v63  }
0xaa: {  	s12 =	rddreg [dreg:$0x7];
	s5 =	sadd.s32 s15, s5  }
0xab: {  	[tilespmem:s25], [sflag:$0x2] =	stream.linear.gather [hbm4b:s5+s2], $0xC8, $0x38;
	[tilespmem:$0x19640] =	vst v63  }
0xac: {  	s19 =	rddreg [dreg:$0x6];
	s12 =	sadd.s32 s15, s12  }
0xad: {  	[tilespmem:s26], [sflag:$0x2] =	stream.linear.gather [hbm4b:s12+s2], $0xC8, $0x38;
	[tilespmem:$0x19640] =	vst v63  }
0xae: {  	s20 =	rddreg [dreg:$0x5];
	s5 =	sadd.s32 s15, s19  }
0xaf: {  	[tilespmem:s28], [sflag:$0x2] =	stream.linear.gather [hbm4b:s5+s2], $0xC8, $0x38;
	[tilespmem:$0x19640] =	vst v63  }
0xb0: {  	s14 =	sadd.s32 s15, s20  }
0xb1: {  	[tilespmem:s29], [sflag:$0x2] =	stream.linear.gather [hbm4b:s14+s2], $0xC8, $0x38;
	[tilespmem:$0x19640] =	vst v63  }
0xb2: {  	_ =	swait.ge [sflag:s10], $0xC8  }
0xb3: {  	[sflag:s10] =	ssyncset.done $0x0  }
0xb4: {  	[sflag:s10] =	ssyncadd.s32 $0xFFFFFF38  }
0xb5: {  	_ =	swait.ge [sflag:s10], $0xC8  }
0xb6: {  	[sflag:s10] =	ssyncset.done $0x0  }
0xb7: {  	[sflag:s10] =	ssyncadd.s32 $0xFFFFFF38  }
0xb8: {  	_ =	swait.ge [sflag:s10], $0xC8  }
0xb9: {  	[sflag:s10] =	ssyncset.done $0x0  }
0xba: {  	[sflag:s10] =	ssyncadd.s32 $0xFFFFFF38  }
0xbb: {  	_ =	swait.ge [sflag:s10], $0xC8  }
0xbc: {  	[sflag:s10] =	ssyncset.done $0x0  }
0xbd: {  	[sflag:s10] =	ssyncadd.s32 $0xFFFFFF38  }
0xbe: {  	_ =	swait.ge [sflag:s11], $0xC800  }
0xbf: {  	[sflag:s11] =	ssyncset.done $0x0  }
0xc0: {  	[sflag:s11] =	ssyncadd.s32 $0xFFFF3800  }
0xc1: {  	[tilespmem:s0], [sflag:$0x4] =	stream.indirect.gather [hbm4b:s4+s25], $0x40, s25, s25, $0xb8;
	[tilespmem:$0x19640] =	vst v63  }
0xc2: {  	_ =	swait.ge [sflag:s1], $0xC800  }
0xc3: {  	s16 =	sshll.u32 s13, $0x2;
	s15 =	rddreg [dreg:$0x3]  }
0xc4: {  	s5 =	sadd.s32 s16, s15  }
0xc5: {  	[sflag:s1] =	ssyncset.done $0x0;
	s12 =	smul.u32 $0x19, s5  }
0xc6: {  	[sflag:s1] =	ssyncadd.s32 $0xFFFF3800;
	s5 =	smul.u32 $0xC8, s5  }
0xc7: {  	[hbm4b:s21+s6] =	stream.strided.scatter [tilespmem:s31], [sflag:$0x5], $0xC800, s7, s6, $0x38;
	[tilespmem:$0x19640] =	vst v63  }
0xc8: {  	s12 =	sadd.s32 s3, s12;
	s17 =	sadd.s32 $0xC8, s5  }
0xc9: {  	[tilespmem:s2], [sflag:$0x1] =	stream.linear.gather [hbm4b:s12+s2], $0xC8, $0x38;
	[tilespmem:$0x19640] =	vst v63  }
0xca: {  	s12 =	sshrl.u32 s17, $0x3  }
0xcb: {  	s18 =	sshrl.u32 s5, $0x3;
	s12 =	sadd.s32 s3, s12  }
0xcc: {  	[tilespmem:s22], [sflag:$0x1] =	stream.linear.gather [hbm4b:s12+s2], $0xC8, $0x38;
	[tilespmem:$0x19640] =	vst v63  }
0xcd: {  	s5 =	sadd.s32 $0x258, s5;
	s12 =	sadd.s32 s3, s18  }
0xce: {  	s5 =	sshrl.u32 s5, $0x3;
	s12 =	sadd.s32 $0x32, s12  }
0xcf: {  	[tilespmem:s23], [sflag:$0x1] =	stream.linear.gather [hbm4b:s12+s2], $0xC8, $0x38;
	[tilespmem:$0x19640] =	vst v63  }
0xd0: {  	s5 =	sadd.s32 s3, s5  }
0xd1: {  	[tilespmem:s24], [sflag:$0x1] =	stream.linear.gather [hbm4b:s5+s2], $0xC8, $0x38;
	[tilespmem:$0x19640] =	vst v63  }
0xd2: {  	_ =	swait.ge [sflag:s9], $0xC800  }
0xd3: {  	[sflag:s9] =	ssyncset.done $0x0  }
0xd4: {  	s19 =	rddreg [dreg:$0x15];
	[sflag:s9] =	ssyncadd.s32 $0xFFFF3800  }
0xd5: {  	[hbm4b:s19+s6] =	stream.strided.scatter [tilespmem:s0], [sflag:$0x6], $0xC800, s7, s6, $0x38;
	[tilespmem:$0x19640] =	vst v63  }
0xd6: {  	_ =	swait.ge [sflag:s30], $0xC8  }
0xd7: {  	[sflag:s30] =	ssyncset.done $0x0  }
0xd8: {  	[sflag:s30] =	ssyncadd.s32 $0xFFFFFF38  }
0xd9: {  	_ =	swait.ge [sflag:s30], $0xC8  }
0xda: {  	[sflag:s30] =	ssyncset.done $0x0  }
0xdb: {  	[sflag:s30] =	ssyncadd.s32 $0xFFFFFF38  }
0xdc: {  	_ =	swait.ge [sflag:s30], $0xC8  }
0xdd: {  	[sflag:s30] =	ssyncset.done $0x0  }
0xde: {  	[sflag:s30] =	ssyncadd.s32 $0xFFFFFF38  }
0xdf: {  	_ =	swait.ge [sflag:s30], $0xC8  }
0xe0: {  	[sflag:s30] =	ssyncset.done $0x0  }
0xe1: {  	[sflag:s30] =	ssyncadd.s32 $0xFFFFFF38  }
0xe2: {  	_ =	swait.ge [sflag:s8], $0xC800  }
0xe3: {  	[sflag:s8] =	ssyncset.done $0x0  }
0xe4: {  	[sflag:s8] =	ssyncadd.s32 $0xFFFF3800  }
0xe5: {  	_ =	swait.ge [sflag:s11], $0xC800  }
0xe6: {  	s20 =	rddreg [dreg:$0x19]  }
0xe7: {  	s21 =	rddreg [dreg:$0x16];
	s12 =	sadd.s32 $0x1, s20  }
0xe8: {  	p0 =	sne.s32 s12, s21  }
.Ltmp1:
0xe9: {  	_ = 	snop;
	(pc) =	sbr.rel @p0 .LBB2_1-.Ltmp1, $3  }
0xea: {  	_ =	sdelay $0x1  }
0xeb: {  	[sflag:s11] =	ssyncset.done $0x0  }
0xec: {  	[sflag:s11] =	ssyncadd.s32 $0xFFFF3800  }
0xed: {  	_ =	sfence.sel $0x180000  }
0xee: {  	[bflag:$0x0] =	sbarrier.arrive $0xFFFF  }
0xef: {  	_ =	strace $0x90000047  }
0xf0: {  	s0 =	stileid.u32;
	[bflag:$0x2] =	sbarrier.arrive $0xFFFF  }
0xf1: {  	p0 =	sne.s32 s0, $0x0;
	s0 =	rddreg [dreg:$0x2]  }
0xf2: {  	s0 =	sadd.s32 @!p0 $0x100000, s0  }
0xf3: {  	[sflag:s0] =	ssyncadd.tile.s32 @!p0 $0x1;
	_ =	shalt  }
.Lfunc_end2:
_tile_overlayer_lowered:
.L_overlay_start_2:
0xf4: {  	(tag) =	ssettag $0x2  }
0xf5: {  	s0 =	rddreg [dreg:$0x0];
	s2 =	stileid.u32  }
0xf6: {  	s1 =	rddreg [dreg:$0x1];
	p0 =	sne.s32 s2, $0x0  }
0xf7: {  	s3 =	rddreg [dreg:$0x2];
	[bflag:$0x3] =	sbarrier.arrive $0xFFFF;
	s2 =	simm.s32 @!p0 $0x1C07  }
0xf8: {  	[timem:s3], [sflag:s2] =	dma.local @!p0 [hbm:s0], s1  }
0xf9: {  	s0 =	simm.s32 @!p0 $0x7  }
0xfa: {  	_ =	swait.ge @!p0 [sflag:s0], s1  }
0xfb: {  	s1 =	ssub.s32 @!p0 $0x0, s1;
	[sflag:s0] =	ssyncset.done @!p0 $0x0  }
0xfc: {  	[sflag:s0] =	ssyncadd.s32 @!p0 s1  }
0xfd: {  	[bflag:$0x3] =	sbarrier.arrive $0xFFFF  }
0xfe: {  	_ =	shalt  }

</sc_bundles>
